<compile_context>
chip_gen: v7x
topology: tpu7x:2x2x1
jax: 0.10.2.dev20260603
libtpu: 0.0.44.dev20260713+nightly
codegen_flags: <defaults>
</compile_context>

<pallas_src>
import functools

import jax
import jax.numpy as jnp
from jax import lax
from jax.experimental import pallas as pl
from jax.experimental.pallas import tpu as pltpu
from jax.experimental.pallas import tpu_sc as plsc

NUM_ROWS = 1000
D = 64
N0 = 16384
N1 = 200
SPLITS = (0, 104)
LENS = (104, 96)

NC, NS = 2, 16
NW = NC * NS
G = 4
PER_W = N0 // NW
NITER = PER_W // G
NPAIR = (NITER - 2) // 2


def _emb_body(w_hbm, idx_hbm, out_hbm, tbl, ia, ib, ra, rb, isem, gsem, osem):
    sid = lax.axis_index("s")
    wid = sid * NC + lax.axis_index("c")
    base = wid * PER_W

    @pl.when(sid == 0)
    def _():
        pltpu.sync_copy(w_hbm, tbl)

    plsc.subcore_barrier()

    def off(g):
        return base + lax.min(g, NITER - 1) * G

    def issue_idx(g, dst):
        pltpu.async_copy(idx_hbm.at[pl.ds(off(g), G)], dst, isem)

    def wait_idx(dst):
        pltpu.make_async_copy(idx_hbm.at[pl.ds(base, G)], dst, isem).wait()

    def issue_gathers(src_idx, dst_rows):
        for k in range(G):
            for s, n in zip(SPLITS, LENS):
                pltpu.async_copy(
                    tbl.at[src_idx.at[k, pl.ds(s, n)]],
                    dst_rows.at[k, pl.ds(s, n)],
                    gsem,
                )

    def wait_gathers(src_idx, dst_rows):
        for k in range(G):
            for s, n in zip(SPLITS, LENS):
                pltpu.make_async_copy(
                    tbl.at[src_idx.at[k, pl.ds(s, n)]],
                    dst_rows.at[k, pl.ds(s, n)],
                    gsem,
                ).wait()

    def issue_write(g, src_rows):
        pltpu.async_copy(src_rows, out_hbm.at[pl.ds(off(g), G)], osem)

    def wait_write(src_rows):
        pltpu.make_async_copy(
            src_rows, out_hbm.at[pl.ds(base, G)], osem
        ).wait()

    def half(g, cur_i, cur_r, nxt_i, nxt_r, first):
        wait_gathers(cur_i, cur_r)
        issue_idx(g + 2, cur_i)
        issue_write(g, cur_r)
        if not first:
            wait_write(nxt_r)
        wait_idx(nxt_i)
        issue_gathers(nxt_i, nxt_r)

    pltpu.sync_copy(idx_hbm.at[pl.ds(base, G)], ia)
    issue_gathers(ia, ra)
    issue_idx(1, ib)

    half(0, ia, ra, ib, rb, first=True)

    def body(t, carry):
        g = 2 * t + 1
        half(g, ib, rb, ia, ra, first=False)
        half(g + 1, ia, ra, ib, rb, first=False)
        return carry

    lax.fori_loop(0, NPAIR, body, 0)

    half(NITER - 1, ib, rb, ia, ra, first=False)

    wait_gathers(ia, ra)
    wait_idx(ia)
    wait_write(rb)


_emb = functools.partial(
    pl.kernel,
    out_type=jax.ShapeDtypeStruct((N0, N1, D), jnp.float32),
    mesh=plsc.VectorSubcoreMesh(core_axis_name="c", subcore_axis_name="s"),
    scratch_types=[
        pltpu.VMEM_SHARED((NUM_ROWS, D), jnp.float32),
        pltpu.VMEM((G, N1), jnp.int32),
        pltpu.VMEM((G, N1), jnp.int32),
        pltpu.VMEM((G, N1, D), jnp.float32),
        pltpu.VMEM((G, N1, D), jnp.float32),
        pltpu.SemaphoreType.DMA,
        pltpu.SemaphoreType.DMA,
        pltpu.SemaphoreType.DMA,
    ],
    compiler_params=pltpu.CompilerParams(use_tc_tiling_on_sc=False),
)(_emb_body)


def kernel(joint_indices, weight):
    return _emb(weight, joint_indices.astype(jnp.int32))

# --- scband reference (transcript-rebuilt; emitter-appended) ---
"""Pipeline reference for scband-joint-embedding-59631325938507 (READ-ONLY COPY).

The authoritative reference and input builder live on the scoring server;
editing this copy changes nothing except your own understanding.
"""

import jax, jax.numpy as jnp
import numpy as np

NUM_JOINTS = 1000
EMBED_DIM = 64
INIT_STD = 0.02

def setup_inputs(seed: int = 0) -> dict:
    key = jax.random.key(seed)
    k_idx, k_w = jax.random.split(key)
    joint_indices = jax.random.randint(k_idx, (16384, 200), 0, NUM_JOINTS, dtype=jnp.int64 if jax.config.jax_enable_x64 else jnp.int32)
    weight = jax.random.normal(k_w, (NUM_JOINTS, EMBED_DIM), dtype=jnp.float32) * INIT_STD
    return {"joint_indices": joint_indices, "weight": weight}

def reference(joint_indices, weight):
    # nn.Embedding lookup: gather rows of the table by index
    return jnp.take(weight, joint_indices, axis=0)

if __name__ == "__main__":
    import jax
    _d = setup_inputs()
    print(jax.jit(kernel)(*tuple(_d.values())))

</pallas_src>

<mosaic_0001>
#map = affine_map<(d0, d1) -> (0, 0)>
#map1 = affine_map<(d0, d1) -> (0, 0, 0)>
module attributes {stable_mosaic.version = 14 : i64} {
  func.func @_emb_body(%arg0: i32, %arg1: i32, %arg2: memref<1000x64xf32, #tpu.memory_space<hbm>>, %arg3: memref<16384x200xi32, #tpu.memory_space<hbm>>, %arg4: memref<16384x200x64xf32, #tpu.memory_space<hbm>>, %arg5: memref<1000x64xf32, #tpu.memory_space<vmem_shared>>, %arg6: memref<4x200xi32, #tpu.memory_space<vmem>>, %arg7: memref<4x200xi32, #tpu.memory_space<vmem>>, %arg8: memref<4x200x64xf32, #tpu.memory_space<vmem>>, %arg9: memref<4x200x64xf32, #tpu.memory_space<vmem>>, %arg10: memref<!tpu.dma_semaphore, #tpu.memory_space<semaphore_mem>>, %arg11: memref<!tpu.dma_semaphore, #tpu.memory_space<semaphore_mem>>, %arg12: memref<!tpu.dma_semaphore, #tpu.memory_space<semaphore_mem>>) attributes {dimension_semantics = [#tpu.dimension_semantics<core_parallel>, #tpu.dimension_semantics<subcore_parallel>], iteration_bounds = array<i64: 2, 16>, scalar_prefetch = 0 : i64, scratch_operands = 8 : i64, tpu.core_type = #tpu.core_type<sc_vector_subcore>, window_params = [{transform_indices = #map}, {transform_indices = #map}, {transform_indices = #map1}]} {
    %mul3A = arith.constant 2 : i32
    %mul3A_0 = arith.muli %arg1, %mul3A : i32
    %add3A = arith.addi %mul3A_0, %arg0 : i32
    %mul3A_1 = arith.constant 512 : i32
    %mul3A_2 = arith.muli %add3A, %mul3A_1 : i32
    %eq3A = arith.constant 0 : i32
    %eq3A_3 = arith.cmpi eq, %arg1, %eq3A : i32
    %convert_element_type3A = arith.extui %eq3A_3 : i1 to i32
    %cond3A = arith.constant 0 : i32
    %cond3A_4 = arith.cmpi ne, %convert_element_type3A, %cond3A : i32
    scf.if %cond3A_4 {
      "tpu.region"() ({
        %run_scoped3A = tpu.sem_alloc : memref<!tpu.dma_semaphore, #tpu.memory_space<semaphore_mem>>
        tpu.enqueue_dma source(%arg2 : memref<1000x64xf32, #tpu.memory_space<hbm>>) target(%arg5 : memref<1000x64xf32, #tpu.memory_space<vmem_shared>>) target_semaphore(%run_scoped3A : memref<!tpu.dma_semaphore, #tpu.memory_space<semaphore_mem>>)
        tpu.wait_dma2 semaphore(%run_scoped3A : memref<!tpu.dma_semaphore, #tpu.memory_space<semaphore_mem>>) src(%arg2 : memref<1000x64xf32, #tpu.memory_space<hbm>>) dst(%arg5 : memref<1000x64xf32, #tpu.memory_space<vmem_shared>>)
        tpu.yield
      }) : () -> ()
    } else {
    }
    %barrier3A = arith.constant 0 : index
    tpu.barrier barrier_id(%barrier3A)
    "tpu.region"() ({
      %run_scoped3A = tpu.sem_alloc : memref<!tpu.dma_semaphore, #tpu.memory_space<semaphore_mem>>
      %dma_start3A_661 = arith.constant 0 : i32
      %dma_start3A_662 = tpu.memref_slice %arg3[%mul3A_2, %dma_start3A_661] : memref<16384x200xi32, #tpu.memory_space<hbm>> -> memref<4x200xi32, #tpu.memory_space<hbm>>
      %dma_start3A_663 = arith.constant 0 : i32
      %dma_start3A_664 = tpu.memref_slice %arg3[%mul3A_2, %dma_start3A_663] : memref<16384x200xi32, #tpu.memory_space<hbm>> -> memref<4x200xi32, #tpu.memory_space<hbm>>
      tpu.enqueue_dma source(%dma_start3A_664 : memref<4x200xi32, #tpu.memory_space<hbm>>) target(%arg6 : memref<4x200xi32, #tpu.memory_space<vmem>>) target_semaphore(%run_scoped3A : memref<!tpu.dma_semaphore, #tpu.memory_space<semaphore_mem>>)
      %dma_wait3A_665 = arith.constant 0 : i32
      %dma_wait3A_666 = tpu.memref_slice %arg3[%mul3A_2, %dma_wait3A_665] : memref<16384x200xi32, #tpu.memory_space<hbm>> -> memref<4x200xi32, #tpu.memory_space<hbm>>
      %dma_wait3A_667 = arith.constant 0 : i32
      %dma_wait3A_668 = tpu.memref_slice %arg3[%mul3A_2, %dma_wait3A_667] : memref<16384x200xi32, #tpu.memory_space<hbm>> -> memref<4x200xi32, #tpu.memory_space<hbm>>
      tpu.wait_dma2 semaphore(%run_scoped3A : memref<!tpu.dma_semaphore, #tpu.memory_space<semaphore_mem>>) src(%dma_wait3A_668 : memref<4x200xi32, #tpu.memory_space<hbm>>) dst(%arg6 : memref<4x200xi32, #tpu.memory_space<vmem>>)
      tpu.yield
    }) : () -> ()
    %dma_start3A = arith.constant 0 : i32
    %dma_start3A_5 = arith.constant 0 : i32
    %dma_start3A_6 = arith.constant 0 : i32
    %dma_start3A_7 = arith.constant 0 : i32
    %dma_start3A_8 = tpu.memref_slice %arg8[%dma_start3A_5, %dma_start3A_6, %dma_start3A_7] : memref<4x200x64xf32, #tpu.memory_space<vmem>> -> memref<1x104x64xf32, #tpu.memory_space<vmem>>
    %dma_start3A_9 = tpu.memref_squeeze %dma_start3A_8 : memref<1x104x64xf32, #tpu.memory_space<vmem>> -> memref<104x64xf32, #tpu.memory_space<vmem>>
    %dma_start3A_10 = arith.constant 0 : i32
    %dma_start3A_11 = tpu.memref_slice %arg6[%dma_start3A, %dma_start3A_10] : memref<4x200xi32, #tpu.memory_space<vmem>> -> memref<1x104xi32, #tpu.memory_space<vmem>>
    %dma_start3A_12 = tpu.memref_squeeze %dma_start3A_11 : memref<1x104xi32, #tpu.memory_space<vmem>> -> memref<104xi32, #tpu.memory_space<vmem>>
    %dma_start3A_13 = arith.constant 0 : i32
    %dma_start3A_14 = arith.constant 0 : i32
    %dma_start3A_15 = tpu.memref_slice %arg5[%dma_start3A_13, %dma_start3A_14] : memref<1000x64xf32, #tpu.memory_space<vmem_shared>> -> memref<1000x64xf32, #tpu.memory_space<vmem_shared>>
    tpu.enqueue_indirect_dma source(%dma_start3A_15 : memref<1000x64xf32, #tpu.memory_space<vmem_shared>>) target(%dma_start3A_9 : memref<104x64xf32, #tpu.memory_space<vmem>>) offsets(%dma_start3A_12 : memref<104xi32, #tpu.memory_space<vmem>>) semaphore(%arg11 : memref<!tpu.dma_semaphore, #tpu.memory_space<semaphore_mem>>)
    %dma_start3A_16 = arith.constant 0 : i32
    %dma_start3A_17 = arith.constant 0 : i32
    %dma_start3A_18 = arith.constant 104 : i32
    %dma_start3A_19 = arith.constant 0 : i32
    %dma_start3A_20 = tpu.memref_slice %arg8[%dma_start3A_17, %dma_start3A_18, %dma_start3A_19] : memref<4x200x64xf32, #tpu.memory_space<vmem>> -> memref<1x96x64xf32, #tpu.memory_space<vmem>>
    %dma_start3A_21 = tpu.memref_squeeze %dma_start3A_20 : memref<1x96x64xf32, #tpu.memory_space<vmem>> -> memref<96x64xf32, #tpu.memory_space<vmem>>
    %dma_start3A_22 = arith.constant 104 : i32
    %dma_start3A_23 = tpu.memref_slice %arg6[%dma_start3A_16, %dma_start3A_22] : memref<4x200xi32, #tpu.memory_space<vmem>> -> memref<1x96xi32, #tpu.memory_space<vmem>>
    %dma_start3A_24 = tpu.memref_squeeze %dma_start3A_23 : memref<1x96xi32, #tpu.memory_space<vmem>> -> memref<96xi32, #tpu.memory_space<vmem>>
    %dma_start3A_25 = arith.constant 0 : i32
    %dma_start3A_26 = arith.constant 0 : i32
    %dma_start3A_27 = tpu.memref_slice %arg5[%dma_start3A_25, %dma_start3A_26] : memref<1000x64xf32, #tpu.memory_space<vmem_shared>> -> memref<1000x64xf32, #tpu.memory_space<vmem_shared>>
    tpu.enqueue_indirect_dma source(%dma_start3A_27 : memref<1000x64xf32, #tpu.memory_space<vmem_shared>>) target(%dma_start3A_21 : memref<96x64xf32, #tpu.memory_space<vmem>>) offsets(%dma_start3A_24 : memref<96xi32, #tpu.memory_space<vmem>>) semaphore(%arg11 : memref<!tpu.dma_semaphore, #tpu.memory_space<semaphore_mem>>)
    %dma_start3A_28 = arith.constant 1 : i32
    %dma_start3A_29 = arith.constant 1 : i32
    %dma_start3A_30 = arith.constant 0 : i32
    %dma_start3A_31 = arith.constant 0 : i32
    %dma_start3A_32 = tpu.memref_slice %arg8[%dma_start3A_29, %dma_start3A_30, %dma_start3A_31] : memref<4x200x64xf32, #tpu.memory_space<vmem>> -> memref<1x104x64xf32, #tpu.memory_space<vmem>>
    %dma_start3A_33 = tpu.memref_squeeze %dma_start3A_32 : memref<1x104x64xf32, #tpu.memory_space<vmem>> -> memref<104x64xf32, #tpu.memory_space<vmem>>
    %dma_start3A_34 = arith.constant 0 : i32
    %dma_start3A_35 = tpu.memref_slice %arg6[%dma_start3A_28, %dma_start3A_34] : memref<4x200xi32, #tpu.memory_space<vmem>> -> memref<1x104xi32, #tpu.memory_space<vmem>>
    %dma_start3A_36 = tpu.memref_squeeze %dma_start3A_35 : memref<1x104xi32, #tpu.memory_space<vmem>> -> memref<104xi32, #tpu.memory_space<vmem>>
    %dma_start3A_37 = arith.constant 0 : i32
    %dma_start3A_38 = arith.constant 0 : i32
    %dma_start3A_39 = tpu.memref_slice %arg5[%dma_start3A_37, %dma_start3A_38] : memref<1000x64xf32, #tpu.memory_space<vmem_shared>> -> memref<1000x64xf32, #tpu.memory_space<vmem_shared>>
    tpu.enqueue_indirect_dma source(%dma_start3A_39 : memref<1000x64xf32, #tpu.memory_space<vmem_shared>>) target(%dma_start3A_33 : memref<104x64xf32, #tpu.memory_space<vmem>>) offsets(%dma_start3A_36 : memref<104xi32, #tpu.memory_space<vmem>>) semaphore(%arg11 : memref<!tpu.dma_semaphore, #tpu.memory_space<semaphore_mem>>)
    %dma_start3A_40 = arith.constant 1 : i32
    %dma_start3A_41 = arith.constant 1 : i32
    %dma_start3A_42 = arith.constant 104 : i32
    %dma_start3A_43 = arith.constant 0 : i32
    %dma_start3A_44 = tpu.memref_slice %arg8[%dma_start3A_41, %dma_start3A_42, %dma_start3A_43] : memref<4x200x64xf32, #tpu.memory_space<vmem>> -> memref<1x96x64xf32, #tpu.memory_space<vmem>>
    %dma_start3A_45 = tpu.memref_squeeze %dma_start3A_44 : memref<1x96x64xf32, #tpu.memory_space<vmem>> -> memref<96x64xf32, #tpu.memory_space<vmem>>
    %dma_start3A_46 = arith.constant 104 : i32
    %dma_start3A_47 = tpu.memref_slice %arg6[%dma_start3A_40, %dma_start3A_46] : memref<4x200xi32, #tpu.memory_space<vmem>> -> memref<1x96xi32, #tpu.memory_space<vmem>>
    %dma_start3A_48 = tpu.memref_squeeze %dma_start3A_47 : memref<1x96xi32, #tpu.memory_space<vmem>> -> memref<96xi32, #tpu.memory_space<vmem>>
    %dma_start3A_49 = arith.constant 0 : i32
    %dma_start3A_50 = arith.constant 0 : i32
    %dma_start3A_51 = tpu.memref_slice %arg5[%dma_start3A_49, %dma_start3A_50] : memref<1000x64xf32, #tpu.memory_space<vmem_shared>> -> memref<1000x64xf32, #tpu.memory_space<vmem_shared>>
    tpu.enqueue_indirect_dma source(%dma_start3A_51 : memref<1000x64xf32, #tpu.memory_space<vmem_shared>>) target(%dma_start3A_45 : memref<96x64xf32, #tpu.memory_space<vmem>>) offsets(%dma_start3A_48 : memref<96xi32, #tpu.memory_space<vmem>>) semaphore(%arg11 : memref<!tpu.dma_semaphore, #tpu.memory_space<semaphore_mem>>)
    %dma_start3A_52 = arith.constant 2 : i32
    %dma_start3A_53 = arith.constant 2 : i32
    %dma_start3A_54 = arith.constant 0 : i32
    %dma_start3A_55 = arith.constant 0 : i32
    %dma_start3A_56 = tpu.memref_slice %arg8[%dma_start3A_53, %dma_start3A_54, %dma_start3A_55] : memref<4x200x64xf32, #tpu.memory_space<vmem>> -> memref<1x104x64xf32, #tpu.memory_space<vmem>>
    %dma_start3A_57 = tpu.memref_squeeze %dma_start3A_56 : memref<1x104x64xf32, #tpu.memory_space<vmem>> -> memref<104x64xf32, #tpu.memory_space<vmem>>
    %dma_start3A_58 = arith.constant 0 : i32
    %dma_start3A_59 = tpu.memref_slice %arg6[%dma_start3A_52, %dma_start3A_58] : memref<4x200xi32, #tpu.memory_space<vmem>> -> memref<1x104xi32, #tpu.memory_space<vmem>>
    %dma_start3A_60 = tpu.memref_squeeze %dma_start3A_59 : memref<1x104xi32, #tpu.memory_space<vmem>> -> memref<104xi32, #tpu.memory_space<vmem>>
    %dma_start3A_61 = arith.constant 0 : i32
    %dma_start3A_62 = arith.constant 0 : i32
    %dma_start3A_63 = tpu.memref_slice %arg5[%dma_start3A_61, %dma_start3A_62] : memref<1000x64xf32, #tpu.memory_space<vmem_shared>> -> memref<1000x64xf32, #tpu.memory_space<vmem_shared>>
    tpu.enqueue_indirect_dma source(%dma_start3A_63 : memref<1000x64xf32, #tpu.memory_space<vmem_shared>>) target(%dma_start3A_57 : memref<104x64xf32, #tpu.memory_space<vmem>>) offsets(%dma_start3A_60 : memref<104xi32, #tpu.memory_space<vmem>>) semaphore(%arg11 : memref<!tpu.dma_semaphore, #tpu.memory_space<semaphore_mem>>)
    %dma_start3A_64 = arith.constant 2 : i32
    %dma_start3A_65 = arith.constant 2 : i32
    %dma_start3A_66 = arith.constant 104 : i32
    %dma_start3A_67 = arith.constant 0 : i32
    %dma_start3A_68 = tpu.memref_slice %arg8[%dma_start3A_65, %dma_start3A_66, %dma_start3A_67] : memref<4x200x64xf32, #tpu.memory_space<vmem>> -> memref<1x96x64xf32, #tpu.memory_space<vmem>>
    %dma_start3A_69 = tpu.memref_squeeze %dma_start3A_68 : memref<1x96x64xf32, #tpu.memory_space<vmem>> -> memref<96x64xf32, #tpu.memory_space<vmem>>
    %dma_start3A_70 = arith.constant 104 : i32
    %dma_start3A_71 = tpu.memref_slice %arg6[%dma_start3A_64, %dma_start3A_70] : memref<4x200xi32, #tpu.memory_space<vmem>> -> memref<1x96xi32, #tpu.memory_space<vmem>>
    %dma_start3A_72 = tpu.memref_squeeze %dma_start3A_71 : memref<1x96xi32, #tpu.memory_space<vmem>> -> memref<96xi32, #tpu.memory_space<vmem>>
    %dma_start3A_73 = arith.constant 0 : i32
    %dma_start3A_74 = arith.constant 0 : i32
    %dma_start3A_75 = tpu.memref_slice %arg5[%dma_start3A_73, %dma_start3A_74] : memref<1000x64xf32, #tpu.memory_space<vmem_shared>> -> memref<1000x64xf32, #tpu.memory_space<vmem_shared>>
    tpu.enqueue_indirect_dma source(%dma_start3A_75 : memref<1000x64xf32, #tpu.memory_space<vmem_shared>>) target(%dma_start3A_69 : memref<96x64xf32, #tpu.memory_space<vmem>>) offsets(%dma_start3A_72 : memref<96xi32, #tpu.memory_space<vmem>>) semaphore(%arg11 : memref<!tpu.dma_semaphore, #tpu.memory_space<semaphore_mem>>)
    %dma_start3A_76 = arith.constant 3 : i32
    %dma_start3A_77 = arith.constant 3 : i32
    %dma_start3A_78 = arith.constant 0 : i32
    %dma_start3A_79 = arith.constant 0 : i32
    %dma_start3A_80 = tpu.memref_slice %arg8[%dma_start3A_77, %dma_start3A_78, %dma_start3A_79] : memref<4x200x64xf32, #tpu.memory_space<vmem>> -> memref<1x104x64xf32, #tpu.memory_space<vmem>>
    %dma_start3A_81 = tpu.memref_squeeze %dma_start3A_80 : memref<1x104x64xf32, #tpu.memory_space<vmem>> -> memref<104x64xf32, #tpu.memory_space<vmem>>
    %dma_start3A_82 = arith.constant 0 : i32
    %dma_start3A_83 = tpu.memref_slice %arg6[%dma_start3A_76, %dma_start3A_82] : memref<4x200xi32, #tpu.memory_space<vmem>> -> memref<1x104xi32, #tpu.memory_space<vmem>>
    %dma_start3A_84 = tpu.memref_squeeze %dma_start3A_83 : memref<1x104xi32, #tpu.memory_space<vmem>> -> memref<104xi32, #tpu.memory_space<vmem>>
    %dma_start3A_85 = arith.constant 0 : i32
    %dma_start3A_86 = arith.constant 0 : i32
    %dma_start3A_87 = tpu.memref_slice %arg5[%dma_start3A_85, %dma_start3A_86] : memref<1000x64xf32, #tpu.memory_space<vmem_shared>> -> memref<1000x64xf32, #tpu.memory_space<vmem_shared>>
    tpu.enqueue_indirect_dma source(%dma_start3A_87 : memref<1000x64xf32, #tpu.memory_space<vmem_shared>>) target(%dma_start3A_81 : memref<104x64xf32, #tpu.memory_space<vmem>>) offsets(%dma_start3A_84 : memref<104xi32, #tpu.memory_space<vmem>>) semaphore(%arg11 : memref<!tpu.dma_semaphore, #tpu.memory_space<semaphore_mem>>)
    %dma_start3A_88 = arith.constant 3 : i32
    %dma_start3A_89 = arith.constant 3 : i32
    %dma_start3A_90 = arith.constant 104 : i32
    %dma_start3A_91 = arith.constant 0 : i32
    %dma_start3A_92 = tpu.memref_slice %arg8[%dma_start3A_89, %dma_start3A_90, %dma_start3A_91] : memref<4x200x64xf32, #tpu.memory_space<vmem>> -> memref<1x96x64xf32, #tpu.memory_space<vmem>>
    %dma_start3A_93 = tpu.memref_squeeze %dma_start3A_92 : memref<1x96x64xf32, #tpu.memory_space<vmem>> -> memref<96x64xf32, #tpu.memory_space<vmem>>
    %dma_start3A_94 = arith.constant 104 : i32
    %dma_start3A_95 = tpu.memref_slice %arg6[%dma_start3A_88, %dma_start3A_94] : memref<4x200xi32, #tpu.memory_space<vmem>> -> memref<1x96xi32, #tpu.memory_space<vmem>>
    %dma_start3A_96 = tpu.memref_squeeze %dma_start3A_95 : memref<1x96xi32, #tpu.memory_space<vmem>> -> memref<96xi32, #tpu.memory_space<vmem>>
    %dma_start3A_97 = arith.constant 0 : i32
    %dma_start3A_98 = arith.constant 0 : i32
    %dma_start3A_99 = tpu.memref_slice %arg5[%dma_start3A_97, %dma_start3A_98] : memref<1000x64xf32, #tpu.memory_space<vmem_shared>> -> memref<1000x64xf32, #tpu.memory_space<vmem_shared>>
    tpu.enqueue_indirect_dma source(%dma_start3A_99 : memref<1000x64xf32, #tpu.memory_space<vmem_shared>>) target(%dma_start3A_93 : memref<96x64xf32, #tpu.memory_space<vmem>>) offsets(%dma_start3A_96 : memref<96xi32, #tpu.memory_space<vmem>>) semaphore(%arg11 : memref<!tpu.dma_semaphore, #tpu.memory_space<semaphore_mem>>)
    %min3A = arith.constant 1 : i32
    %min3A_100 = arith.constant 127 : i32
    %min3A_101 = arith.minsi %min3A, %min3A_100 : i32
    %mul3A_102 = arith.constant 4 : i32
    %mul3A_103 = arith.muli %min3A_101, %mul3A_102 : i32
    %add3A_104 = arith.addi %mul3A_2, %mul3A_103 : i32
    %dma_start3A_105 = arith.constant 0 : i32
    %dma_start3A_106 = tpu.memref_slice %arg3[%add3A_104, %dma_start3A_105] : memref<16384x200xi32, #tpu.memory_space<hbm>> -> memref<4x200xi32, #tpu.memory_space<hbm>>
    %dma_start3A_107 = arith.constant 0 : i32
    %dma_start3A_108 = tpu.memref_slice %arg3[%add3A_104, %dma_start3A_107] : memref<16384x200xi32, #tpu.memory_space<hbm>> -> memref<4x200xi32, #tpu.memory_space<hbm>>
    tpu.enqueue_dma source(%dma_start3A_108 : memref<4x200xi32, #tpu.memory_space<hbm>>) target(%arg7 : memref<4x200xi32, #tpu.memory_space<vmem>>) target_semaphore(%arg10 : memref<!tpu.dma_semaphore, #tpu.memory_space<semaphore_mem>>)
    %dma_wait3A = arith.constant 0 : i32
    %dma_wait3A_109 = arith.constant 0 : i32
    %dma_wait3A_110 = arith.constant 0 : i32
    %dma_wait3A_111 = arith.constant 0 : i32
    %dma_wait3A_112 = tpu.memref_slice %arg8[%dma_wait3A_109, %dma_wait3A_110, %dma_wait3A_111] : memref<4x200x64xf32, #tpu.memory_space<vmem>> -> memref<1x104x64xf32, #tpu.memory_space<vmem>>
    %dma_wait3A_113 = tpu.memref_squeeze %dma_wait3A_112 : memref<1x104x64xf32, #tpu.memory_space<vmem>> -> memref<104x64xf32, #tpu.memory_space<vmem>>
    %dma_wait3A_114 = arith.constant 0 : i32
    %dma_wait3A_115 = tpu.memref_slice %arg6[%dma_wait3A, %dma_wait3A_114] : memref<4x200xi32, #tpu.memory_space<vmem>> -> memref<1x104xi32, #tpu.memory_space<vmem>>
    %dma_wait3A_116 = tpu.memref_squeeze %dma_wait3A_115 : memref<1x104xi32, #tpu.memory_space<vmem>> -> memref<104xi32, #tpu.memory_space<vmem>>
    %dma_wait3A_117 = arith.constant 0 : i32
    %dma_wait3A_118 = arith.constant 0 : i32
    %dma_wait3A_119 = tpu.memref_slice %arg5[%dma_wait3A_117, %dma_wait3A_118] : memref<1000x64xf32, #tpu.memory_space<vmem_shared>> -> memref<1000x64xf32, #tpu.memory_space<vmem_shared>>
    tpu.wait_indirect_dma semaphore(%arg11 : memref<!tpu.dma_semaphore, #tpu.memory_space<semaphore_mem>>) src(%dma_wait3A_119 : memref<1000x64xf32, #tpu.memory_space<vmem_shared>>) dst(%dma_wait3A_113 : memref<104x64xf32, #tpu.memory_space<vmem>>)
    %dma_wait3A_120 = arith.constant 0 : i32
    %dma_wait3A_121 = arith.constant 0 : i32
    %dma_wait3A_122 = arith.constant 104 : i32
    %dma_wait3A_123 = arith.constant 0 : i32
    %dma_wait3A_124 = tpu.memref_slice %arg8[%dma_wait3A_121, %dma_wait3A_122, %dma_wait3A_123] : memref<4x200x64xf32, #tpu.memory_space<vmem>> -> memref<1x96x64xf32, #tpu.memory_space<vmem>>
    %dma_wait3A_125 = tpu.memref_squeeze %dma_wait3A_124 : memref<1x96x64xf32, #tpu.memory_space<vmem>> -> memref<96x64xf32, #tpu.memory_space<vmem>>
    %dma_wait3A_126 = arith.constant 104 : i32
    %dma_wait3A_127 = tpu.memref_slice %arg6[%dma_wait3A_120, %dma_wait3A_126] : memref<4x200xi32, #tpu.memory_space<vmem>> -> memref<1x96xi32, #tpu.memory_space<vmem>>
    %dma_wait3A_128 = tpu.memref_squeeze %dma_wait3A_127 : memref<1x96xi32, #tpu.memory_space<vmem>> -> memref<96xi32, #tpu.memory_space<vmem>>
    %dma_wait3A_129 = arith.constant 0 : i32
    %dma_wait3A_130 = arith.constant 0 : i32
    %dma_wait3A_131 = tpu.memref_slice %arg5[%dma_wait3A_129, %dma_wait3A_130] : memref<1000x64xf32, #tpu.memory_space<vmem_shared>> -> memref<1000x64xf32, #tpu.memory_space<vmem_shared>>
    tpu.wait_indirect_dma semaphore(%arg11 : memref<!tpu.dma_semaphore, #tpu.memory_space<semaphore_mem>>) src(%dma_wait3A_131 : memref<1000x64xf32, #tpu.memory_space<vmem_shared>>) dst(%dma_wait3A_125 : memref<96x64xf32, #tpu.memory_space<vmem>>)
    %dma_wait3A_132 = arith.constant 1 : i32
    %dma_wait3A_133 = arith.constant 1 : i32
    %dma_wait3A_134 = arith.constant 0 : i32
    %dma_wait3A_135 = arith.constant 0 : i32
    %dma_wait3A_136 = tpu.memref_slice %arg8[%dma_wait3A_133, %dma_wait3A_134, %dma_wait3A_135] : memref<4x200x64xf32, #tpu.memory_space<vmem>> -> memref<1x104x64xf32, #tpu.memory_space<vmem>>
    %dma_wait3A_137 = tpu.memref_squeeze %dma_wait3A_136 : memref<1x104x64xf32, #tpu.memory_space<vmem>> -> memref<104x64xf32, #tpu.memory_space<vmem>>
    %dma_wait3A_138 = arith.constant 0 : i32
    %dma_wait3A_139 = tpu.memref_slice %arg6[%dma_wait3A_132, %dma_wait3A_138] : memref<4x200xi32, #tpu.memory_space<vmem>> -> memref<1x104xi32, #tpu.memory_space<vmem>>
    %dma_wait3A_140 = tpu.memref_squeeze %dma_wait3A_139 : memref<1x104xi32, #tpu.memory_space<vmem>> -> memref<104xi32, #tpu.memory_space<vmem>>
    %dma_wait3A_141 = arith.constant 0 : i32
    %dma_wait3A_142 = arith.constant 0 : i32
    %dma_wait3A_143 = tpu.memref_slice %arg5[%dma_wait3A_141, %dma_wait3A_142] : memref<1000x64xf32, #tpu.memory_space<vmem_shared>> -> memref<1000x64xf32, #tpu.memory_space<vmem_shared>>
    tpu.wait_indirect_dma semaphore(%arg11 : memref<!tpu.dma_semaphore, #tpu.memory_space<semaphore_mem>>) src(%dma_wait3A_143 : memref<1000x64xf32, #tpu.memory_space<vmem_shared>>) dst(%dma_wait3A_137 : memref<104x64xf32, #tpu.memory_space<vmem>>)
    %dma_wait3A_144 = arith.constant 1 : i32
    %dma_wait3A_145 = arith.constant 1 : i32
    %dma_wait3A_146 = arith.constant 104 : i32
    %dma_wait3A_147 = arith.constant 0 : i32
    %dma_wait3A_148 = tpu.memref_slice %arg8[%dma_wait3A_145, %dma_wait3A_146, %dma_wait3A_147] : memref<4x200x64xf32, #tpu.memory_space<vmem>> -> memref<1x96x64xf32, #tpu.memory_space<vmem>>
    %dma_wait3A_149 = tpu.memref_squeeze %dma_wait3A_148 : memref<1x96x64xf32, #tpu.memory_space<vmem>> -> memref<96x64xf32, #tpu.memory_space<vmem>>
    %dma_wait3A_150 = arith.constant 104 : i32
    %dma_wait3A_151 = tpu.memref_slice %arg6[%dma_wait3A_144, %dma_wait3A_150] : memref<4x200xi32, #tpu.memory_space<vmem>> -> memref<1x96xi32, #tpu.memory_space<vmem>>
    %dma_wait3A_152 = tpu.memref_squeeze %dma_wait3A_151 : memref<1x96xi32, #tpu.memory_space<vmem>> -> memref<96xi32, #tpu.memory_space<vmem>>
    %dma_wait3A_153 = arith.constant 0 : i32
    %dma_wait3A_154 = arith.constant 0 : i32
    %dma_wait3A_155 = tpu.memref_slice %arg5[%dma_wait3A_153, %dma_wait3A_154] : memref<1000x64xf32, #tpu.memory_space<vmem_shared>> -> memref<1000x64xf32, #tpu.memory_space<vmem_shared>>
    tpu.wait_indirect_dma semaphore(%arg11 : memref<!tpu.dma_semaphore, #tpu.memory_space<semaphore_mem>>) src(%dma_wait3A_155 : memref<1000x64xf32, #tpu.memory_space<vmem_shared>>) dst(%dma_wait3A_149 : memref<96x64xf32, #tpu.memory_space<vmem>>)
    %dma_wait3A_156 = arith.constant 2 : i32
    %dma_wait3A_157 = arith.constant 2 : i32
    %dma_wait3A_158 = arith.constant 0 : i32
    %dma_wait3A_159 = arith.constant 0 : i32
    %dma_wait3A_160 = tpu.memref_slice %arg8[%dma_wait3A_157, %dma_wait3A_158, %dma_wait3A_159] : memref<4x200x64xf32, #tpu.memory_space<vmem>> -> memref<1x104x64xf32, #tpu.memory_space<vmem>>
    %dma_wait3A_161 = tpu.memref_squeeze %dma_wait3A_160 : memref<1x104x64xf32, #tpu.memory_space<vmem>> -> memref<104x64xf32, #tpu.memory_space<vmem>>
    %dma_wait3A_162 = arith.constant 0 : i32
    %dma_wait3A_163 = tpu.memref_slice %arg6[%dma_wait3A_156, %dma_wait3A_162] : memref<4x200xi32, #tpu.memory_space<vmem>> -> memref<1x104xi32, #tpu.memory_space<vmem>>
    %dma_wait3A_164 = tpu.memref_squeeze %dma_wait3A_163 : memref<1x104xi32, #tpu.memory_space<vmem>> -> memref<104xi32, #tpu.memory_space<vmem>>
    %dma_wait3A_165 = arith.constant 0 : i32
    %dma_wait3A_166 = arith.constant 0 : i32
    %dma_wait3A_167 = tpu.memref_slice %arg5[%dma_wait3A_165, %dma_wait3A_166] : memref<1000x64xf32, #tpu.memory_space<vmem_shared>> -> memref<1000x64xf32, #tpu.memory_space<vmem_shared>>
    tpu.wait_indirect_dma semaphore(%arg11 : memref<!tpu.dma_semaphore, #tpu.memory_space<semaphore_mem>>) src(%dma_wait3A_167 : memref<1000x64xf32, #tpu.memory_space<vmem_shared>>) dst(%dma_wait3A_161 : memref<104x64xf32, #tpu.memory_space<vmem>>)
    %dma_wait3A_168 = arith.constant 2 : i32
    %dma_wait3A_169 = arith.constant 2 : i32
    %dma_wait3A_170 = arith.constant 104 : i32
    %dma_wait3A_171 = arith.constant 0 : i32
    %dma_wait3A_172 = tpu.memref_slice %arg8[%dma_wait3A_169, %dma_wait3A_170, %dma_wait3A_171] : memref<4x200x64xf32, #tpu.memory_space<vmem>> -> memref<1x96x64xf32, #tpu.memory_space<vmem>>
    %dma_wait3A_173 = tpu.memref_squeeze %dma_wait3A_172 : memref<1x96x64xf32, #tpu.memory_space<vmem>> -> memref<96x64xf32, #tpu.memory_space<vmem>>
    %dma_wait3A_174 = arith.constant 104 : i32
    %dma_wait3A_175 = tpu.memref_slice %arg6[%dma_wait3A_168, %dma_wait3A_174] : memref<4x200xi32, #tpu.memory_space<vmem>> -> memref<1x96xi32, #tpu.memory_space<vmem>>
    %dma_wait3A_176 = tpu.memref_squeeze %dma_wait3A_175 : memref<1x96xi32, #tpu.memory_space<vmem>> -> memref<96xi32, #tpu.memory_space<vmem>>
    %dma_wait3A_177 = arith.constant 0 : i32
    %dma_wait3A_178 = arith.constant 0 : i32
    %dma_wait3A_179 = tpu.memref_slice %arg5[%dma_wait3A_177, %dma_wait3A_178] : memref<1000x64xf32, #tpu.memory_space<vmem_shared>> -> memref<1000x64xf32, #tpu.memory_space<vmem_shared>>
    tpu.wait_indirect_dma semaphore(%arg11 : memref<!tpu.dma_semaphore, #tpu.memory_space<semaphore_mem>>) src(%dma_wait3A_179 : memref<1000x64xf32, #tpu.memory_space<vmem_shared>>) dst(%dma_wait3A_173 : memref<96x64xf32, #tpu.memory_space<vmem>>)
    %dma_wait3A_180 = arith.constant 3 : i32
    %dma_wait3A_181 = arith.constant 3 : i32
    %dma_wait3A_182 = arith.constant 0 : i32
    %dma_wait3A_183 = arith.constant 0 : i32
    %dma_wait3A_184 = tpu.memref_slice %arg8[%dma_wait3A_181, %dma_wait3A_182, %dma_wait3A_183] : memref<4x200x64xf32, #tpu.memory_space<vmem>> -> memref<1x104x64xf32, #tpu.memory_space<vmem>>
    %dma_wait3A_185 = tpu.memref_squeeze %dma_wait3A_184 : memref<1x104x64xf32, #tpu.memory_space<vmem>> -> memref<104x64xf32, #tpu.memory_space<vmem>>
    %dma_wait3A_186 = arith.constant 0 : i32
    %dma_wait3A_187 = tpu.memref_slice %arg6[%dma_wait3A_180, %dma_wait3A_186] : memref<4x200xi32, #tpu.memory_space<vmem>> -> memref<1x104xi32, #tpu.memory_space<vmem>>
    %dma_wait3A_188 = tpu.memref_squeeze %dma_wait3A_187 : memref<1x104xi32, #tpu.memory_space<vmem>> -> memref<104xi32, #tpu.memory_space<vmem>>
    %dma_wait3A_189 = arith.constant 0 : i32
    %dma_wait3A_190 = arith.constant 0 : i32
    %dma_wait3A_191 = tpu.memref_slice %arg5[%dma_wait3A_189, %dma_wait3A_190] : memref<1000x64xf32, #tpu.memory_space<vmem_shared>> -> memref<1000x64xf32, #tpu.memory_space<vmem_shared>>
    tpu.wait_indirect_dma semaphore(%arg11 : memref<!tpu.dma_semaphore, #tpu.memory_space<semaphore_mem>>) src(%dma_wait3A_191 : memref<1000x64xf32, #tpu.memory_space<vmem_shared>>) dst(%dma_wait3A_185 : memref<104x64xf32, #tpu.memory_space<vmem>>)
    %dma_wait3A_192 = arith.constant 3 : i32
    %dma_wait3A_193 = arith.constant 3 : i32
    %dma_wait3A_194 = arith.constant 104 : i32
    %dma_wait3A_195 = arith.constant 0 : i32
    %dma_wait3A_196 = tpu.memref_slice %arg8[%dma_wait3A_193, %dma_wait3A_194, %dma_wait3A_195] : memref<4x200x64xf32, #tpu.memory_space<vmem>> -> memref<1x96x64xf32, #tpu.memory_space<vmem>>
    %dma_wait3A_197 = tpu.memref_squeeze %dma_wait3A_196 : memref<1x96x64xf32, #tpu.memory_space<vmem>> -> memref<96x64xf32, #tpu.memory_space<vmem>>
    %dma_wait3A_198 = arith.constant 104 : i32
    %dma_wait3A_199 = tpu.memref_slice %arg6[%dma_wait3A_192, %dma_wait3A_198] : memref<4x200xi32, #tpu.memory_space<vmem>> -> memref<1x96xi32, #tpu.memory_space<vmem>>
    %dma_wait3A_200 = tpu.memref_squeeze %dma_wait3A_199 : memref<1x96xi32, #tpu.memory_space<vmem>> -> memref<96xi32, #tpu.memory_space<vmem>>
    %dma_wait3A_201 = arith.constant 0 : i32
    %dma_wait3A_202 = arith.constant 0 : i32
    %dma_wait3A_203 = tpu.memref_slice %arg5[%dma_wait3A_201, %dma_wait3A_202] : memref<1000x64xf32, #tpu.memory_space<vmem_shared>> -> memref<1000x64xf32, #tpu.memory_space<vmem_shared>>
    tpu.wait_indirect_dma semaphore(%arg11 : memref<!tpu.dma_semaphore, #tpu.memory_space<semaphore_mem>>) src(%dma_wait3A_203 : memref<1000x64xf32, #tpu.memory_space<vmem_shared>>) dst(%dma_wait3A_197 : memref<96x64xf32, #tpu.memory_space<vmem>>)
    %min3A_204 = arith.constant 2 : i32
    %min3A_205 = arith.constant 127 : i32
    %min3A_206 = arith.minsi %min3A_204, %min3A_205 : i32
    %mul3A_207 = arith.constant 4 : i32
    %mul3A_208 = arith.muli %min3A_206, %mul3A_207 : i32
    %add3A_209 = arith.addi %mul3A_2, %mul3A_208 : i32
    %dma_start3A_210 = arith.constant 0 : i32
    %dma_start3A_211 = tpu.memref_slice %arg3[%add3A_209, %dma_start3A_210] : memref<16384x200xi32, #tpu.memory_space<hbm>> -> memref<4x200xi32, #tpu.memory_space<hbm>>
    %dma_start3A_212 = arith.constant 0 : i32
    %dma_start3A_213 = tpu.memref_slice %arg3[%add3A_209, %dma_start3A_212] : memref<16384x200xi32, #tpu.memory_space<hbm>> -> memref<4x200xi32, #tpu.memory_space<hbm>>
    tpu.enqueue_dma source(%dma_start3A_213 : memref<4x200xi32, #tpu.memory_space<hbm>>) target(%arg6 : memref<4x200xi32, #tpu.memory_space<vmem>>) target_semaphore(%arg10 : memref<!tpu.dma_semaphore, #tpu.memory_space<semaphore_mem>>)
    %min3A_214 = arith.constant 0 : i32
    %min3A_215 = arith.constant 127 : i32
    %min3A_216 = arith.minsi %min3A_214, %min3A_215 : i32
    %mul3A_217 = arith.constant 4 : i32
    %mul3A_218 = arith.muli %min3A_216, %mul3A_217 : i32
    %add3A_219 = arith.addi %mul3A_2, %mul3A_218 : i32
    %dma_start3A_220 = arith.constant 0 : i32
    %dma_start3A_221 = arith.constant 0 : i32
    %dma_start3A_222 = tpu.memref_slice %arg4[%add3A_219, %dma_start3A_220, %dma_start3A_221] : memref<16384x200x64xf32, #tpu.memory_space<hbm>> -> memref<4x200x64xf32, #tpu.memory_space<hbm>>
    %dma_start3A_223 = arith.constant 0 : i32
    %dma_start3A_224 = arith.constant 0 : i32
    %dma_start3A_225 = tpu.memref_slice %arg4[%add3A_219, %dma_start3A_223, %dma_start3A_224] : memref<16384x200x64xf32, #tpu.memory_space<hbm>> -> memref<4x200x64xf32, #tpu.memory_space<hbm>>
    tpu.enqueue_dma source(%arg8 : memref<4x200x64xf32, #tpu.memory_space<vmem>>) target(%dma_start3A_225 : memref<4x200x64xf32, #tpu.memory_space<hbm>>) target_semaphore(%arg12 : memref<!tpu.dma_semaphore, #tpu.memory_space<semaphore_mem>>)
    %dma_wait3A_226 = arith.constant 0 : i32
    %dma_wait3A_227 = tpu.memref_slice %arg3[%mul3A_2, %dma_wait3A_226] : memref<16384x200xi32, #tpu.memory_space<hbm>> -> memref<4x200xi32, #tpu.memory_space<hbm>>
    %dma_wait3A_228 = arith.constant 0 : i32
    %dma_wait3A_229 = tpu.memref_slice %arg3[%mul3A_2, %dma_wait3A_228] : memref<16384x200xi32, #tpu.memory_space<hbm>> -> memref<4x200xi32, #tpu.memory_space<hbm>>
    tpu.wait_dma2 semaphore(%arg10 : memref<!tpu.dma_semaphore, #tpu.memory_space<semaphore_mem>>) src(%dma_wait3A_229 : memref<4x200xi32, #tpu.memory_space<hbm>>) dst(%arg7 : memref<4x200xi32, #tpu.memory_space<vmem>>)
    %dma_start3A_230 = arith.constant 0 : i32
    %dma_start3A_231 = arith.constant 0 : i32
    %dma_start3A_232 = arith.constant 0 : i32
    %dma_start3A_233 = arith.constant 0 : i32
    %dma_start3A_234 = tpu.memref_slice %arg9[%dma_start3A_231, %dma_start3A_232, %dma_start3A_233] : memref<4x200x64xf32, #tpu.memory_space<vmem>> -> memref<1x104x64xf32, #tpu.memory_space<vmem>>
    %dma_start3A_235 = tpu.memref_squeeze %dma_start3A_234 : memref<1x104x64xf32, #tpu.memory_space<vmem>> -> memref<104x64xf32, #tpu.memory_space<vmem>>
    %dma_start3A_236 = arith.constant 0 : i32
    %dma_start3A_237 = tpu.memref_slice %arg7[%dma_start3A_230, %dma_start3A_236] : memref<4x200xi32, #tpu.memory_space<vmem>> -> memref<1x104xi32, #tpu.memory_space<vmem>>
    %dma_start3A_238 = tpu.memref_squeeze %dma_start3A_237 : memref<1x104xi32, #tpu.memory_space<vmem>> -> memref<104xi32, #tpu.memory_space<vmem>>
    %dma_start3A_239 = arith.constant 0 : i32
    %dma_start3A_240 = arith.constant 0 : i32
    %dma_start3A_241 = tpu.memref_slice %arg5[%dma_start3A_239, %dma_start3A_240] : memref<1000x64xf32, #tpu.memory_space<vmem_shared>> -> memref<1000x64xf32, #tpu.memory_space<vmem_shared>>
    tpu.enqueue_indirect_dma source(%dma_start3A_241 : memref<1000x64xf32, #tpu.memory_space<vmem_shared>>) target(%dma_start3A_235 : memref<104x64xf32, #tpu.memory_space<vmem>>) offsets(%dma_start3A_238 : memref<104xi32, #tpu.memory_space<vmem>>) semaphore(%arg11 : memref<!tpu.dma_semaphore, #tpu.memory_space<semaphore_mem>>)
    %dma_start3A_242 = arith.constant 0 : i32
    %dma_start3A_243 = arith.constant 0 : i32
    %dma_start3A_244 = arith.constant 104 : i32
    %dma_start3A_245 = arith.constant 0 : i32
    %dma_start3A_246 = tpu.memref_slice %arg9[%dma_start3A_243, %dma_start3A_244, %dma_start3A_245] : memref<4x200x64xf32, #tpu.memory_space<vmem>> -> memref<1x96x64xf32, #tpu.memory_space<vmem>>
    %dma_start3A_247 = tpu.memref_squeeze %dma_start3A_246 : memref<1x96x64xf32, #tpu.memory_space<vmem>> -> memref<96x64xf32, #tpu.memory_space<vmem>>
    %dma_start3A_248 = arith.constant 104 : i32
    %dma_start3A_249 = tpu.memref_slice %arg7[%dma_start3A_242, %dma_start3A_248] : memref<4x200xi32, #tpu.memory_space<vmem>> -> memref<1x96xi32, #tpu.memory_space<vmem>>
    %dma_start3A_250 = tpu.memref_squeeze %dma_start3A_249 : memref<1x96xi32, #tpu.memory_space<vmem>> -> memref<96xi32, #tpu.memory_space<vmem>>
    %dma_start3A_251 = arith.constant 0 : i32
    %dma_start3A_252 = arith.constant 0 : i32
    %dma_start3A_253 = tpu.memref_slice %arg5[%dma_start3A_251, %dma_start3A_252] : memref<1000x64xf32, #tpu.memory_space<vmem_shared>> -> memref<1000x64xf32, #tpu.memory_space<vmem_shared>>
    tpu.enqueue_indirect_dma source(%dma_start3A_253 : memref<1000x64xf32, #tpu.memory_space<vmem_shared>>) target(%dma_start3A_247 : memref<96x64xf32, #tpu.memory_space<vmem>>) offsets(%dma_start3A_250 : memref<96xi32, #tpu.memory_space<vmem>>) semaphore(%arg11 : memref<!tpu.dma_semaphore, #tpu.memory_space<semaphore_mem>>)
    %dma_start3A_254 = arith.constant 1 : i32
    %dma_start3A_255 = arith.constant 1 : i32
    %dma_start3A_256 = arith.constant 0 : i32
    %dma_start3A_257 = arith.constant 0 : i32
    %dma_start3A_258 = tpu.memref_slice %arg9[%dma_start3A_255, %dma_start3A_256, %dma_start3A_257] : memref<4x200x64xf32, #tpu.memory_space<vmem>> -> memref<1x104x64xf32, #tpu.memory_space<vmem>>
    %dma_start3A_259 = tpu.memref_squeeze %dma_start3A_258 : memref<1x104x64xf32, #tpu.memory_space<vmem>> -> memref<104x64xf32, #tpu.memory_space<vmem>>
    %dma_start3A_260 = arith.constant 0 : i32
    %dma_start3A_261 = tpu.memref_slice %arg7[%dma_start3A_254, %dma_start3A_260] : memref<4x200xi32, #tpu.memory_space<vmem>> -> memref<1x104xi32, #tpu.memory_space<vmem>>
    %dma_start3A_262 = tpu.memref_squeeze %dma_start3A_261 : memref<1x104xi32, #tpu.memory_space<vmem>> -> memref<104xi32, #tpu.memory_space<vmem>>
    %dma_start3A_263 = arith.constant 0 : i32
    %dma_start3A_264 = arith.constant 0 : i32
    %dma_start3A_265 = tpu.memref_slice %arg5[%dma_start3A_263, %dma_start3A_264] : memref<1000x64xf32, #tpu.memory_space<vmem_shared>> -> memref<1000x64xf32, #tpu.memory_space<vmem_shared>>
    tpu.enqueue_indirect_dma source(%dma_start3A_265 : memref<1000x64xf32, #tpu.memory_space<vmem_shared>>) target(%dma_start3A_259 : memref<104x64xf32, #tpu.memory_space<vmem>>) offsets(%dma_start3A_262 : memref<104xi32, #tpu.memory_space<vmem>>) semaphore(%arg11 : memref<!tpu.dma_semaphore, #tpu.memory_space<semaphore_mem>>)
    %dma_start3A_266 = arith.constant 1 : i32
    %dma_start3A_267 = arith.constant 1 : i32
    %dma_start3A_268 = arith.constant 104 : i32
    %dma_start3A_269 = arith.constant 0 : i32
    %dma_start3A_270 = tpu.memref_slice %arg9[%dma_start3A_267, %dma_start3A_268, %dma_start3A_269] : memref<4x200x64xf32, #tpu.memory_space<vmem>> -> memref<1x96x64xf32, #tpu.memory_space<vmem>>
    %dma_start3A_271 = tpu.memref_squeeze %dma_start3A_270 : memref<1x96x64xf32, #tpu.memory_space<vmem>> -> memref<96x64xf32, #tpu.memory_space<vmem>>
    %dma_start3A_272 = arith.constant 104 : i32
    %dma_start3A_273 = tpu.memref_slice %arg7[%dma_start3A_266, %dma_start3A_272] : memref<4x200xi32, #tpu.memory_space<vmem>> -> memref<1x96xi32, #tpu.memory_space<vmem>>
    %dma_start3A_274 = tpu.memref_squeeze %dma_start3A_273 : memref<1x96xi32, #tpu.memory_space<vmem>> -> memref<96xi32, #tpu.memory_space<vmem>>
    %dma_start3A_275 = arith.constant 0 : i32
    %dma_start3A_276 = arith.constant 0 : i32
    %dma_start3A_277 = tpu.memref_slice %arg5[%dma_start3A_275, %dma_start3A_276] : memref<1000x64xf32, #tpu.memory_space<vmem_shared>> -> memref<1000x64xf32, #tpu.memory_space<vmem_shared>>
    tpu.enqueue_indirect_dma source(%dma_start3A_277 : memref<1000x64xf32, #tpu.memory_space<vmem_shared>>) target(%dma_start3A_271 : memref<96x64xf32, #tpu.memory_space<vmem>>) offsets(%dma_start3A_274 : memref<96xi32, #tpu.memory_space<vmem>>) semaphore(%arg11 : memref<!tpu.dma_semaphore, #tpu.memory_space<semaphore_mem>>)
    %dma_start3A_278 = arith.constant 2 : i32
    %dma_start3A_279 = arith.constant 2 : i32
    %dma_start3A_280 = arith.constant 0 : i32
    %dma_start3A_281 = arith.constant 0 : i32
    %dma_start3A_282 = tpu.memref_slice %arg9[%dma_start3A_279, %dma_start3A_280, %dma_start3A_281] : memref<4x200x64xf32, #tpu.memory_space<vmem>> -> memref<1x104x64xf32, #tpu.memory_space<vmem>>
    %dma_start3A_283 = tpu.memref_squeeze %dma_start3A_282 : memref<1x104x64xf32, #tpu.memory_space<vmem>> -> memref<104x64xf32, #tpu.memory_space<vmem>>
    %dma_start3A_284 = arith.constant 0 : i32
    %dma_start3A_285 = tpu.memref_slice %arg7[%dma_start3A_278, %dma_start3A_284] : memref<4x200xi32, #tpu.memory_space<vmem>> -> memref<1x104xi32, #tpu.memory_space<vmem>>
    %dma_start3A_286 = tpu.memref_squeeze %dma_start3A_285 : memref<1x104xi32, #tpu.memory_space<vmem>> -> memref<104xi32, #tpu.memory_space<vmem>>
    %dma_start3A_287 = arith.constant 0 : i32
    %dma_start3A_288 = arith.constant 0 : i32
    %dma_start3A_289 = tpu.memref_slice %arg5[%dma_start3A_287, %dma_start3A_288] : memref<1000x64xf32, #tpu.memory_space<vmem_shared>> -> memref<1000x64xf32, #tpu.memory_space<vmem_shared>>
    tpu.enqueue_indirect_dma source(%dma_start3A_289 : memref<1000x64xf32, #tpu.memory_space<vmem_shared>>) target(%dma_start3A_283 : memref<104x64xf32, #tpu.memory_space<vmem>>) offsets(%dma_start3A_286 : memref<104xi32, #tpu.memory_space<vmem>>) semaphore(%arg11 : memref<!tpu.dma_semaphore, #tpu.memory_space<semaphore_mem>>)
    %dma_start3A_290 = arith.constant 2 : i32
    %dma_start3A_291 = arith.constant 2 : i32
    %dma_start3A_292 = arith.constant 104 : i32
    %dma_start3A_293 = arith.constant 0 : i32
    %dma_start3A_294 = tpu.memref_slice %arg9[%dma_start3A_291, %dma_start3A_292, %dma_start3A_293] : memref<4x200x64xf32, #tpu.memory_space<vmem>> -> memref<1x96x64xf32, #tpu.memory_space<vmem>>
    %dma_start3A_295 = tpu.memref_squeeze %dma_start3A_294 : memref<1x96x64xf32, #tpu.memory_space<vmem>> -> memref<96x64xf32, #tpu.memory_space<vmem>>
    %dma_start3A_296 = arith.constant 104 : i32
    %dma_start3A_297 = tpu.memref_slice %arg7[%dma_start3A_290, %dma_start3A_296] : memref<4x200xi32, #tpu.memory_space<vmem>> -> memref<1x96xi32, #tpu.memory_space<vmem>>
    %dma_start3A_298 = tpu.memref_squeeze %dma_start3A_297 : memref<1x96xi32, #tpu.memory_space<vmem>> -> memref<96xi32, #tpu.memory_space<vmem>>
    %dma_start3A_299 = arith.constant 0 : i32
    %dma_start3A_300 = arith.constant 0 : i32
    %dma_start3A_301 = tpu.memref_slice %arg5[%dma_start3A_299, %dma_start3A_300] : memref<1000x64xf32, #tpu.memory_space<vmem_shared>> -> memref<1000x64xf32, #tpu.memory_space<vmem_shared>>
    tpu.enqueue_indirect_dma source(%dma_start3A_301 : memref<1000x64xf32, #tpu.memory_space<vmem_shared>>) target(%dma_start3A_295 : memref<96x64xf32, #tpu.memory_space<vmem>>) offsets(%dma_start3A_298 : memref<96xi32, #tpu.memory_space<vmem>>) semaphore(%arg11 : memref<!tpu.dma_semaphore, #tpu.memory_space<semaphore_mem>>)
    %dma_start3A_302 = arith.constant 3 : i32
    %dma_start3A_303 = arith.constant 3 : i32
    %dma_start3A_304 = arith.constant 0 : i32
    %dma_start3A_305 = arith.constant 0 : i32
    %dma_start3A_306 = tpu.memref_slice %arg9[%dma_start3A_303, %dma_start3A_304, %dma_start3A_305] : memref<4x200x64xf32, #tpu.memory_space<vmem>> -> memref<1x104x64xf32, #tpu.memory_space<vmem>>
    %dma_start3A_307 = tpu.memref_squeeze %dma_start3A_306 : memref<1x104x64xf32, #tpu.memory_space<vmem>> -> memref<104x64xf32, #tpu.memory_space<vmem>>
    %dma_start3A_308 = arith.constant 0 : i32
    %dma_start3A_309 = tpu.memref_slice %arg7[%dma_start3A_302, %dma_start3A_308] : memref<4x200xi32, #tpu.memory_space<vmem>> -> memref<1x104xi32, #tpu.memory_space<vmem>>
    %dma_start3A_310 = tpu.memref_squeeze %dma_start3A_309 : memref<1x104xi32, #tpu.memory_space<vmem>> -> memref<104xi32, #tpu.memory_space<vmem>>
    %dma_start3A_311 = arith.constant 0 : i32
    %dma_start3A_312 = arith.constant 0 : i32
    %dma_start3A_313 = tpu.memref_slice %arg5[%dma_start3A_311, %dma_start3A_312] : memref<1000x64xf32, #tpu.memory_space<vmem_shared>> -> memref<1000x64xf32, #tpu.memory_space<vmem_shared>>
    tpu.enqueue_indirect_dma source(%dma_start3A_313 : memref<1000x64xf32, #tpu.memory_space<vmem_shared>>) target(%dma_start3A_307 : memref<104x64xf32, #tpu.memory_space<vmem>>) offsets(%dma_start3A_310 : memref<104xi32, #tpu.memory_space<vmem>>) semaphore(%arg11 : memref<!tpu.dma_semaphore, #tpu.memory_space<semaphore_mem>>)
    %dma_start3A_314 = arith.constant 3 : i32
    %dma_start3A_315 = arith.constant 3 : i32
    %dma_start3A_316 = arith.constant 104 : i32
    %dma_start3A_317 = arith.constant 0 : i32
    %dma_start3A_318 = tpu.memref_slice %arg9[%dma_start3A_315, %dma_start3A_316, %dma_start3A_317] : memref<4x200x64xf32, #tpu.memory_space<vmem>> -> memref<1x96x64xf32, #tpu.memory_space<vmem>>
    %dma_start3A_319 = tpu.memref_squeeze %dma_start3A_318 : memref<1x96x64xf32, #tpu.memory_space<vmem>> -> memref<96x64xf32, #tpu.memory_space<vmem>>
    %dma_start3A_320 = arith.constant 104 : i32
    %dma_start3A_321 = tpu.memref_slice %arg7[%dma_start3A_314, %dma_start3A_320] : memref<4x200xi32, #tpu.memory_space<vmem>> -> memref<1x96xi32, #tpu.memory_space<vmem>>
    %dma_start3A_322 = tpu.memref_squeeze %dma_start3A_321 : memref<1x96xi32, #tpu.memory_space<vmem>> -> memref<96xi32, #tpu.memory_space<vmem>>
    %dma_start3A_323 = arith.constant 0 : i32
    %dma_start3A_324 = arith.constant 0 : i32
    %dma_start3A_325 = tpu.memref_slice %arg5[%dma_start3A_323, %dma_start3A_324] : memref<1000x64xf32, #tpu.memory_space<vmem_shared>> -> memref<1000x64xf32, #tpu.memory_space<vmem_shared>>
    tpu.enqueue_indirect_dma source(%dma_start3A_325 : memref<1000x64xf32, #tpu.memory_space<vmem_shared>>) target(%dma_start3A_319 : memref<96x64xf32, #tpu.memory_space<vmem>>) offsets(%dma_start3A_322 : memref<96xi32, #tpu.memory_space<vmem>>) semaphore(%arg11 : memref<!tpu.dma_semaphore, #tpu.memory_space<semaphore_mem>>)
    %scan3A = arith.constant 0 : i32
    %scan3A_326 = arith.constant 0 : i32
    %scan3A_327 = arith.constant 63 : i32
    %scan3A_328 = arith.addi %scan3A_326, %scan3A_327 : i32
    %scan3A_329 = arith.constant 1 : i32
    scf.for %scan3A_661 = %scan3A_326 to %scan3A_328 step %scan3A_329  : i32 {
      %mul3A_662 = arith.constant 2 : i32
      %mul3A_663 = arith.muli %mul3A_662, %scan3A_661 : i32
      %add3A_664 = arith.constant 1 : i32
      %add3A_665 = arith.addi %mul3A_663, %add3A_664 : i32
      %dma_wait3A_666 = arith.constant 0 : i32
      %dma_wait3A_667 = arith.constant 0 : i32
      %dma_wait3A_668 = arith.constant 0 : i32
      %dma_wait3A_669 = arith.constant 0 : i32
      %dma_wait3A_670 = tpu.memref_slice %arg9[%dma_wait3A_667, %dma_wait3A_668, %dma_wait3A_669] : memref<4x200x64xf32, #tpu.memory_space<vmem>> -> memref<1x104x64xf32, #tpu.memory_space<vmem>>
      %dma_wait3A_671 = tpu.memref_squeeze %dma_wait3A_670 : memref<1x104x64xf32, #tpu.memory_space<vmem>> -> memref<104x64xf32, #tpu.memory_space<vmem>>
      %dma_wait3A_672 = arith.constant 0 : i32
      %dma_wait3A_673 = tpu.memref_slice %arg7[%dma_wait3A_666, %dma_wait3A_672] : memref<4x200xi32, #tpu.memory_space<vmem>> -> memref<1x104xi32, #tpu.memory_space<vmem>>
      %dma_wait3A_674 = tpu.memref_squeeze %dma_wait3A_673 : memref<1x104xi32, #tpu.memory_space<vmem>> -> memref<104xi32, #tpu.memory_space<vmem>>
      %dma_wait3A_675 = arith.constant 0 : i32
      %dma_wait3A_676 = arith.constant 0 : i32
      %dma_wait3A_677 = tpu.memref_slice %arg5[%dma_wait3A_675, %dma_wait3A_676] : memref<1000x64xf32, #tpu.memory_space<vmem_shared>> -> memref<1000x64xf32, #tpu.memory_space<vmem_shared>>
      tpu.wait_indirect_dma semaphore(%arg11 : memref<!tpu.dma_semaphore, #tpu.memory_space<semaphore_mem>>) src(%dma_wait3A_677 : memref<1000x64xf32, #tpu.memory_space<vmem_shared>>) dst(%dma_wait3A_671 : memref<104x64xf32, #tpu.memory_space<vmem>>)
      %dma_wait3A_678 = arith.constant 0 : i32
      %dma_wait3A_679 = arith.constant 0 : i32
      %dma_wait3A_680 = arith.constant 104 : i32
      %dma_wait3A_681 = arith.constant 0 : i32
      %dma_wait3A_682 = tpu.memref_slice %arg9[%dma_wait3A_679, %dma_wait3A_680, %dma_wait3A_681] : memref<4x200x64xf32, #tpu.memory_space<vmem>> -> memref<1x96x64xf32, #tpu.memory_space<vmem>>
      %dma_wait3A_683 = tpu.memref_squeeze %dma_wait3A_682 : memref<1x96x64xf32, #tpu.memory_space<vmem>> -> memref<96x64xf32, #tpu.memory_space<vmem>>
      %dma_wait3A_684 = arith.constant 104 : i32
      %dma_wait3A_685 = tpu.memref_slice %arg7[%dma_wait3A_678, %dma_wait3A_684] : memref<4x200xi32, #tpu.memory_space<vmem>> -> memref<1x96xi32, #tpu.memory_space<vmem>>
      %dma_wait3A_686 = tpu.memref_squeeze %dma_wait3A_685 : memref<1x96xi32, #tpu.memory_space<vmem>> -> memref<96xi32, #tpu.memory_space<vmem>>
      %dma_wait3A_687 = arith.constant 0 : i32
      %dma_wait3A_688 = arith.constant 0 : i32
      %dma_wait3A_689 = tpu.memref_slice %arg5[%dma_wait3A_687, %dma_wait3A_688] : memref<1000x64xf32, #tpu.memory_space<vmem_shared>> -> memref<1000x64xf32, #tpu.memory_space<vmem_shared>>
      tpu.wait_indirect_dma semaphore(%arg11 : memref<!tpu.dma_semaphore, #tpu.memory_space<semaphore_mem>>) src(%dma_wait3A_689 : memref<1000x64xf32, #tpu.memory_space<vmem_shared>>) dst(%dma_wait3A_683 : memref<96x64xf32, #tpu.memory_space<vmem>>)
      %dma_wait3A_690 = arith.constant 1 : i32
      %dma_wait3A_691 = arith.constant 1 : i32
      %dma_wait3A_692 = arith.constant 0 : i32
      %dma_wait3A_693 = arith.constant 0 : i32
      %dma_wait3A_694 = tpu.memref_slice %arg9[%dma_wait3A_691, %dma_wait3A_692, %dma_wait3A_693] : memref<4x200x64xf32, #tpu.memory_space<vmem>> -> memref<1x104x64xf32, #tpu.memory_space<vmem>>
      %dma_wait3A_695 = tpu.memref_squeeze %dma_wait3A_694 : memref<1x104x64xf32, #tpu.memory_space<vmem>> -> memref<104x64xf32, #tpu.memory_space<vmem>>
      %dma_wait3A_696 = arith.constant 0 : i32
      %dma_wait3A_697 = tpu.memref_slice %arg7[%dma_wait3A_690, %dma_wait3A_696] : memref<4x200xi32, #tpu.memory_space<vmem>> -> memref<1x104xi32, #tpu.memory_space<vmem>>
      %dma_wait3A_698 = tpu.memref_squeeze %dma_wait3A_697 : memref<1x104xi32, #tpu.memory_space<vmem>> -> memref<104xi32, #tpu.memory_space<vmem>>
      %dma_wait3A_699 = arith.constant 0 : i32
      %dma_wait3A_700 = arith.constant 0 : i32
      %dma_wait3A_701 = tpu.memref_slice %arg5[%dma_wait3A_699, %dma_wait3A_700] : memref<1000x64xf32, #tpu.memory_space<vmem_shared>> -> memref<1000x64xf32, #tpu.memory_space<vmem_shared>>
      tpu.wait_indirect_dma semaphore(%arg11 : memref<!tpu.dma_semaphore, #tpu.memory_space<semaphore_mem>>) src(%dma_wait3A_701 : memref<1000x64xf32, #tpu.memory_space<vmem_shared>>) dst(%dma_wait3A_695 : memref<104x64xf32, #tpu.memory_space<vmem>>)
      %dma_wait3A_702 = arith.constant 1 : i32
      %dma_wait3A_703 = arith.constant 1 : i32
      %dma_wait3A_704 = arith.constant 104 : i32
      %dma_wait3A_705 = arith.constant 0 : i32
      %dma_wait3A_706 = tpu.memref_slice %arg9[%dma_wait3A_703, %dma_wait3A_704, %dma_wait3A_705] : memref<4x200x64xf32, #tpu.memory_space<vmem>> -> memref<1x96x64xf32, #tpu.memory_space<vmem>>
      %dma_wait3A_707 = tpu.memref_squeeze %dma_wait3A_706 : memref<1x96x64xf32, #tpu.memory_space<vmem>> -> memref<96x64xf32, #tpu.memory_space<vmem>>
      %dma_wait3A_708 = arith.constant 104 : i32
      %dma_wait3A_709 = tpu.memref_slice %arg7[%dma_wait3A_702, %dma_wait3A_708] : memref<4x200xi32, #tpu.memory_space<vmem>> -> memref<1x96xi32, #tpu.memory_space<vmem>>
      %dma_wait3A_710 = tpu.memref_squeeze %dma_wait3A_709 : memref<1x96xi32, #tpu.memory_space<vmem>> -> memref<96xi32, #tpu.memory_space<vmem>>
      %dma_wait3A_711 = arith.constant 0 : i32
      %dma_wait3A_712 = arith.constant 0 : i32
      %dma_wait3A_713 = tpu.memref_slice %arg5[%dma_wait3A_711, %dma_wait3A_712] : memref<1000x64xf32, #tpu.memory_space<vmem_shared>> -> memref<1000x64xf32, #tpu.memory_space<vmem_shared>>
      tpu.wait_indirect_dma semaphore(%arg11 : memref<!tpu.dma_semaphore, #tpu.memory_space<semaphore_mem>>) src(%dma_wait3A_713 : memref<1000x64xf32, #tpu.memory_space<vmem_shared>>) dst(%dma_wait3A_707 : memref<96x64xf32, #tpu.memory_space<vmem>>)
      %dma_wait3A_714 = arith.constant 2 : i32
      %dma_wait3A_715 = arith.constant 2 : i32
      %dma_wait3A_716 = arith.constant 0 : i32
      %dma_wait3A_717 = arith.constant 0 : i32
      %dma_wait3A_718 = tpu.memref_slice %arg9[%dma_wait3A_715, %dma_wait3A_716, %dma_wait3A_717] : memref<4x200x64xf32, #tpu.memory_space<vmem>> -> memref<1x104x64xf32, #tpu.memory_space<vmem>>
      %dma_wait3A_719 = tpu.memref_squeeze %dma_wait3A_718 : memref<1x104x64xf32, #tpu.memory_space<vmem>> -> memref<104x64xf32, #tpu.memory_space<vmem>>
      %dma_wait3A_720 = arith.constant 0 : i32
      %dma_wait3A_721 = tpu.memref_slice %arg7[%dma_wait3A_714, %dma_wait3A_720] : memref<4x200xi32, #tpu.memory_space<vmem>> -> memref<1x104xi32, #tpu.memory_space<vmem>>
      %dma_wait3A_722 = tpu.memref_squeeze %dma_wait3A_721 : memref<1x104xi32, #tpu.memory_space<vmem>> -> memref<104xi32, #tpu.memory_space<vmem>>
      %dma_wait3A_723 = arith.constant 0 : i32
      %dma_wait3A_724 = arith.constant 0 : i32
      %dma_wait3A_725 = tpu.memref_slice %arg5[%dma_wait3A_723, %dma_wait3A_724] : memref<1000x64xf32, #tpu.memory_space<vmem_shared>> -> memref<1000x64xf32, #tpu.memory_space<vmem_shared>>
      tpu.wait_indirect_dma semaphore(%arg11 : memref<!tpu.dma_semaphore, #tpu.memory_space<semaphore_mem>>) src(%dma_wait3A_725 : memref<1000x64xf32, #tpu.memory_space<vmem_shared>>) dst(%dma_wait3A_719 : memref<104x64xf32, #tpu.memory_space<vmem>>)
      %dma_wait3A_726 = arith.constant 2 : i32
      %dma_wait3A_727 = arith.constant 2 : i32
      %dma_wait3A_728 = arith.constant 104 : i32
      %dma_wait3A_729 = arith.constant 0 : i32
      %dma_wait3A_730 = tpu.memref_slice %arg9[%dma_wait3A_727, %dma_wait3A_728, %dma_wait3A_729] : memref<4x200x64xf32, #tpu.memory_space<vmem>> -> memref<1x96x64xf32, #tpu.memory_space<vmem>>
      %dma_wait3A_731 = tpu.memref_squeeze %dma_wait3A_730 : memref<1x96x64xf32, #tpu.memory_space<vmem>> -> memref<96x64xf32, #tpu.memory_space<vmem>>
      %dma_wait3A_732 = arith.constant 104 : i32
      %dma_wait3A_733 = tpu.memref_slice %arg7[%dma_wait3A_726, %dma_wait3A_732] : memref<4x200xi32, #tpu.memory_space<vmem>> -> memref<1x96xi32, #tpu.memory_space<vmem>>
      %dma_wait3A_734 = tpu.memref_squeeze %dma_wait3A_733 : memref<1x96xi32, #tpu.memory_space<vmem>> -> memref<96xi32, #tpu.memory_space<vmem>>
      %dma_wait3A_735 = arith.constant 0 : i32
      %dma_wait3A_736 = arith.constant 0 : i32
      %dma_wait3A_737 = tpu.memref_slice %arg5[%dma_wait3A_735, %dma_wait3A_736] : memref<1000x64xf32, #tpu.memory_space<vmem_shared>> -> memref<1000x64xf32, #tpu.memory_space<vmem_shared>>
      tpu.wait_indirect_dma semaphore(%arg11 : memref<!tpu.dma_semaphore, #tpu.memory_space<semaphore_mem>>) src(%dma_wait3A_737 : memref<1000x64xf32, #tpu.memory_space<vmem_shared>>) dst(%dma_wait3A_731 : memref<96x64xf32, #tpu.memory_space<vmem>>)
      %dma_wait3A_738 = arith.constant 3 : i32
      %dma_wait3A_739 = arith.constant 3 : i32
      %dma_wait3A_740 = arith.constant 0 : i32
      %dma_wait3A_741 = arith.constant 0 : i32
      %dma_wait3A_742 = tpu.memref_slice %arg9[%dma_wait3A_739, %dma_wait3A_740, %dma_wait3A_741] : memref<4x200x64xf32, #tpu.memory_space<vmem>> -> memref<1x104x64xf32, #tpu.memory_space<vmem>>
      %dma_wait3A_743 = tpu.memref_squeeze %dma_wait3A_742 : memref<1x104x64xf32, #tpu.memory_space<vmem>> -> memref<104x64xf32, #tpu.memory_space<vmem>>
      %dma_wait3A_744 = arith.constant 0 : i32
      %dma_wait3A_745 = tpu.memref_slice %arg7[%dma_wait3A_738, %dma_wait3A_744] : memref<4x200xi32, #tpu.memory_space<vmem>> -> memref<1x104xi32, #tpu.memory_space<vmem>>
      %dma_wait3A_746 = tpu.memref_squeeze %dma_wait3A_745 : memref<1x104xi32, #tpu.memory_space<vmem>> -> memref<104xi32, #tpu.memory_space<vmem>>
      %dma_wait3A_747 = arith.constant 0 : i32
      %dma_wait3A_748 = arith.constant 0 : i32
      %dma_wait3A_749 = tpu.memref_slice %arg5[%dma_wait3A_747, %dma_wait3A_748] : memref<1000x64xf32, #tpu.memory_space<vmem_shared>> -> memref<1000x64xf32, #tpu.memory_space<vmem_shared>>
      tpu.wait_indirect_dma semaphore(%arg11 : memref<!tpu.dma_semaphore, #tpu.memory_space<semaphore_mem>>) src(%dma_wait3A_749 : memref<1000x64xf32, #tpu.memory_space<vmem_shared>>) dst(%dma_wait3A_743 : memref<104x64xf32, #tpu.memory_space<vmem>>)
      %dma_wait3A_750 = arith.constant 3 : i32
      %dma_wait3A_751 = arith.constant 3 : i32
      %dma_wait3A_752 = arith.constant 104 : i32
      %dma_wait3A_753 = arith.constant 0 : i32
      %dma_wait3A_754 = tpu.memref_slice %arg9[%dma_wait3A_751, %dma_wait3A_752, %dma_wait3A_753] : memref<4x200x64xf32, #tpu.memory_space<vmem>> -> memref<1x96x64xf32, #tpu.memory_space<vmem>>
      %dma_wait3A_755 = tpu.memref_squeeze %dma_wait3A_754 : memref<1x96x64xf32, #tpu.memory_space<vmem>> -> memref<96x64xf32, #tpu.memory_space<vmem>>
      %dma_wait3A_756 = arith.constant 104 : i32
      %dma_wait3A_757 = tpu.memref_slice %arg7[%dma_wait3A_750, %dma_wait3A_756] : memref<4x200xi32, #tpu.memory_space<vmem>> -> memref<1x96xi32, #tpu.memory_space<vmem>>
      %dma_wait3A_758 = tpu.memref_squeeze %dma_wait3A_757 : memref<1x96xi32, #tpu.memory_space<vmem>> -> memref<96xi32, #tpu.memory_space<vmem>>
      %dma_wait3A_759 = arith.constant 0 : i32
      %dma_wait3A_760 = arith.constant 0 : i32
      %dma_wait3A_761 = tpu.memref_slice %arg5[%dma_wait3A_759, %dma_wait3A_760] : memref<1000x64xf32, #tpu.memory_space<vmem_shared>> -> memref<1000x64xf32, #tpu.memory_space<vmem_shared>>
      tpu.wait_indirect_dma semaphore(%arg11 : memref<!tpu.dma_semaphore, #tpu.memory_space<semaphore_mem>>) src(%dma_wait3A_761 : memref<1000x64xf32, #tpu.memory_space<vmem_shared>>) dst(%dma_wait3A_755 : memref<96x64xf32, #tpu.memory_space<vmem>>)
      %add3A_762 = arith.constant 2 : i32
      %add3A_763 = arith.addi %add3A_665, %add3A_762 : i32
      %min3A_764 = arith.constant 127 : i32
      %min3A_765 = arith.minsi %add3A_763, %min3A_764 : i32
      %mul3A_766 = arith.constant 4 : i32
      %mul3A_767 = arith.muli %min3A_765, %mul3A_766 : i32
      %add3A_768 = arith.addi %mul3A_2, %mul3A_767 : i32
      %dma_start3A_769 = arith.constant 0 : i32
      %dma_start3A_770 = tpu.memref_slice %arg3[%add3A_768, %dma_start3A_769] : memref<16384x200xi32, #tpu.memory_space<hbm>> -> memref<4x200xi32, #tpu.memory_space<hbm>>
      %dma_start3A_771 = arith.constant 0 : i32
      %dma_start3A_772 = tpu.memref_slice %arg3[%add3A_768, %dma_start3A_771] : memref<16384x200xi32, #tpu.memory_space<hbm>> -> memref<4x200xi32, #tpu.memory_space<hbm>>
      tpu.enqueue_dma source(%dma_start3A_772 : memref<4x200xi32, #tpu.memory_space<hbm>>) target(%arg7 : memref<4x200xi32, #tpu.memory_space<vmem>>) target_semaphore(%arg10 : memref<!tpu.dma_semaphore, #tpu.memory_space<semaphore_mem>>)
      %min3A_773 = arith.constant 127 : i32
      %min3A_774 = arith.minsi %add3A_665, %min3A_773 : i32
      %mul3A_775 = arith.constant 4 : i32
      %mul3A_776 = arith.muli %min3A_774, %mul3A_775 : i32
      %add3A_777 = arith.addi %mul3A_2, %mul3A_776 : i32
      %dma_start3A_778 = arith.constant 0 : i32
      %dma_start3A_779 = arith.constant 0 : i32
      %dma_start3A_780 = tpu.memref_slice %arg4[%add3A_777, %dma_start3A_778, %dma_start3A_779] : memref<16384x200x64xf32, #tpu.memory_space<hbm>> -> memref<4x200x64xf32, #tpu.memory_space<hbm>>
      %dma_start3A_781 = arith.constant 0 : i32
      %dma_start3A_782 = arith.constant 0 : i32
      %dma_start3A_783 = tpu.memref_slice %arg4[%add3A_777, %dma_start3A_781, %dma_start3A_782] : memref<16384x200x64xf32, #tpu.memory_space<hbm>> -> memref<4x200x64xf32, #tpu.memory_space<hbm>>
      tpu.enqueue_dma source(%arg9 : memref<4x200x64xf32, #tpu.memory_space<vmem>>) target(%dma_start3A_783 : memref<4x200x64xf32, #tpu.memory_space<hbm>>) target_semaphore(%arg12 : memref<!tpu.dma_semaphore, #tpu.memory_space<semaphore_mem>>)
      %dma_wait3A_784 = arith.constant 0 : i32
      %dma_wait3A_785 = arith.constant 0 : i32
      %dma_wait3A_786 = tpu.memref_slice %arg4[%mul3A_2, %dma_wait3A_784, %dma_wait3A_785] : memref<16384x200x64xf32, #tpu.memory_space<hbm>> -> memref<4x200x64xf32, #tpu.memory_space<hbm>>
      %dma_wait3A_787 = arith.constant 0 : i32
      %dma_wait3A_788 = arith.constant 0 : i32
      %dma_wait3A_789 = tpu.memref_slice %arg4[%mul3A_2, %dma_wait3A_787, %dma_wait3A_788] : memref<16384x200x64xf32, #tpu.memory_space<hbm>> -> memref<4x200x64xf32, #tpu.memory_space<hbm>>
      tpu.wait_dma2 semaphore(%arg12 : memref<!tpu.dma_semaphore, #tpu.memory_space<semaphore_mem>>) src(%arg8 : memref<4x200x64xf32, #tpu.memory_space<vmem>>) dst(%dma_wait3A_789 : memref<4x200x64xf32, #tpu.memory_space<hbm>>)
      %dma_wait3A_790 = arith.constant 0 : i32
      %dma_wait3A_791 = tpu.memref_slice %arg3[%mul3A_2, %dma_wait3A_790] : memref<16384x200xi32, #tpu.memory_space<hbm>> -> memref<4x200xi32, #tpu.memory_space<hbm>>
      %dma_wait3A_792 = arith.constant 0 : i32
      %dma_wait3A_793 = tpu.memref_slice %arg3[%mul3A_2, %dma_wait3A_792] : memref<16384x200xi32, #tpu.memory_space<hbm>> -> memref<4x200xi32, #tpu.memory_space<hbm>>
      tpu.wait_dma2 semaphore(%arg10 : memref<!tpu.dma_semaphore, #tpu.memory_space<semaphore_mem>>) src(%dma_wait3A_793 : memref<4x200xi32, #tpu.memory_space<hbm>>) dst(%arg6 : memref<4x200xi32, #tpu.memory_space<vmem>>)
      %dma_start3A_794 = arith.constant 0 : i32
      %dma_start3A_795 = arith.constant 0 : i32
      %dma_start3A_796 = arith.constant 0 : i32
      %dma_start3A_797 = arith.constant 0 : i32
      %dma_start3A_798 = tpu.memref_slice %arg8[%dma_start3A_795, %dma_start3A_796, %dma_start3A_797] : memref<4x200x64xf32, #tpu.memory_space<vmem>> -> memref<1x104x64xf32, #tpu.memory_space<vmem>>
      %dma_start3A_799 = tpu.memref_squeeze %dma_start3A_798 : memref<1x104x64xf32, #tpu.memory_space<vmem>> -> memref<104x64xf32, #tpu.memory_space<vmem>>
      %dma_start3A_800 = arith.constant 0 : i32
      %dma_start3A_801 = tpu.memref_slice %arg6[%dma_start3A_794, %dma_start3A_800] : memref<4x200xi32, #tpu.memory_space<vmem>> -> memref<1x104xi32, #tpu.memory_space<vmem>>
      %dma_start3A_802 = tpu.memref_squeeze %dma_start3A_801 : memref<1x104xi32, #tpu.memory_space<vmem>> -> memref<104xi32, #tpu.memory_space<vmem>>
      %dma_start3A_803 = arith.constant 0 : i32
      %dma_start3A_804 = arith.constant 0 : i32
      %dma_start3A_805 = tpu.memref_slice %arg5[%dma_start3A_803, %dma_start3A_804] : memref<1000x64xf32, #tpu.memory_space<vmem_shared>> -> memref<1000x64xf32, #tpu.memory_space<vmem_shared>>
      tpu.enqueue_indirect_dma source(%dma_start3A_805 : memref<1000x64xf32, #tpu.memory_space<vmem_shared>>) target(%dma_start3A_799 : memref<104x64xf32, #tpu.memory_space<vmem>>) offsets(%dma_start3A_802 : memref<104xi32, #tpu.memory_space<vmem>>) semaphore(%arg11 : memref<!tpu.dma_semaphore, #tpu.memory_space<semaphore_mem>>)
      %dma_start3A_806 = arith.constant 0 : i32
      %dma_start3A_807 = arith.constant 0 : i32
      %dma_start3A_808 = arith.constant 104 : i32
      %dma_start3A_809 = arith.constant 0 : i32
      %dma_start3A_810 = tpu.memref_slice %arg8[%dma_start3A_807, %dma_start3A_808, %dma_start3A_809] : memref<4x200x64xf32, #tpu.memory_space<vmem>> -> memref<1x96x64xf32, #tpu.memory_space<vmem>>
      %dma_start3A_811 = tpu.memref_squeeze %dma_start3A_810 : memref<1x96x64xf32, #tpu.memory_space<vmem>> -> memref<96x64xf32, #tpu.memory_space<vmem>>
      %dma_start3A_812 = arith.constant 104 : i32
      %dma_start3A_813 = tpu.memref_slice %arg6[%dma_start3A_806, %dma_start3A_812] : memref<4x200xi32, #tpu.memory_space<vmem>> -> memref<1x96xi32, #tpu.memory_space<vmem>>
      %dma_start3A_814 = tpu.memref_squeeze %dma_start3A_813 : memref<1x96xi32, #tpu.memory_space<vmem>> -> memref<96xi32, #tpu.memory_space<vmem>>
      %dma_start3A_815 = arith.constant 0 : i32
      %dma_start3A_816 = arith.constant 0 : i32
      %dma_start3A_817 = tpu.memref_slice %arg5[%dma_start3A_815, %dma_start3A_816] : memref<1000x64xf32, #tpu.memory_space<vmem_shared>> -> memref<1000x64xf32, #tpu.memory_space<vmem_shared>>
      tpu.enqueue_indirect_dma source(%dma_start3A_817 : memref<1000x64xf32, #tpu.memory_space<vmem_shared>>) target(%dma_start3A_811 : memref<96x64xf32, #tpu.memory_space<vmem>>) offsets(%dma_start3A_814 : memref<96xi32, #tpu.memory_space<vmem>>) semaphore(%arg11 : memref<!tpu.dma_semaphore, #tpu.memory_space<semaphore_mem>>)
      %dma_start3A_818 = arith.constant 1 : i32
      %dma_start3A_819 = arith.constant 1 : i32
      %dma_start3A_820 = arith.constant 0 : i32
      %dma_start3A_821 = arith.constant 0 : i32
      %dma_start3A_822 = tpu.memref_slice %arg8[%dma_start3A_819, %dma_start3A_820, %dma_start3A_821] : memref<4x200x64xf32, #tpu.memory_space<vmem>> -> memref<1x104x64xf32, #tpu.memory_space<vmem>>
      %dma_start3A_823 = tpu.memref_squeeze %dma_start3A_822 : memref<1x104x64xf32, #tpu.memory_space<vmem>> -> memref<104x64xf32, #tpu.memory_space<vmem>>
      %dma_start3A_824 = arith.constant 0 : i32
      %dma_start3A_825 = tpu.memref_slice %arg6[%dma_start3A_818, %dma_start3A_824] : memref<4x200xi32, #tpu.memory_space<vmem>> -> memref<1x104xi32, #tpu.memory_space<vmem>>
      %dma_start3A_826 = tpu.memref_squeeze %dma_start3A_825 : memref<1x104xi32, #tpu.memory_space<vmem>> -> memref<104xi32, #tpu.memory_space<vmem>>
      %dma_start3A_827 = arith.constant 0 : i32
      %dma_start3A_828 = arith.constant 0 : i32
      %dma_start3A_829 = tpu.memref_slice %arg5[%dma_start3A_827, %dma_start3A_828] : memref<1000x64xf32, #tpu.memory_space<vmem_shared>> -> memref<1000x64xf32, #tpu.memory_space<vmem_shared>>
      tpu.enqueue_indirect_dma source(%dma_start3A_829 : memref<1000x64xf32, #tpu.memory_space<vmem_shared>>) target(%dma_start3A_823 : memref<104x64xf32, #tpu.memory_space<vmem>>) offsets(%dma_start3A_826 : memref<104xi32, #tpu.memory_space<vmem>>) semaphore(%arg11 : memref<!tpu.dma_semaphore, #tpu.memory_space<semaphore_mem>>)
      %dma_start3A_830 = arith.constant 1 : i32
      %dma_start3A_831 = arith.constant 1 : i32
      %dma_start3A_832 = arith.constant 104 : i32
      %dma_start3A_833 = arith.constant 0 : i32
      %dma_start3A_834 = tpu.memref_slice %arg8[%dma_start3A_831, %dma_start3A_832, %dma_start3A_833] : memref<4x200x64xf32, #tpu.memory_space<vmem>> -> memref<1x96x64xf32, #tpu.memory_space<vmem>>
      %dma_start3A_835 = tpu.memref_squeeze %dma_start3A_834 : memref<1x96x64xf32, #tpu.memory_space<vmem>> -> memref<96x64xf32, #tpu.memory_space<vmem>>
      %dma_start3A_836 = arith.constant 104 : i32
      %dma_start3A_837 = tpu.memref_slice %arg6[%dma_start3A_830, %dma_start3A_836] : memref<4x200xi32, #tpu.memory_space<vmem>> -> memref<1x96xi32, #tpu.memory_space<vmem>>
      %dma_start3A_838 = tpu.memref_squeeze %dma_start3A_837 : memref<1x96xi32, #tpu.memory_space<vmem>> -> memref<96xi32, #tpu.memory_space<vmem>>
      %dma_start3A_839 = arith.constant 0 : i32
      %dma_start3A_840 = arith.constant 0 : i32
      %dma_start3A_841 = tpu.memref_slice %arg5[%dma_start3A_839, %dma_start3A_840] : memref<1000x64xf32, #tpu.memory_space<vmem_shared>> -> memref<1000x64xf32, #tpu.memory_space<vmem_shared>>
      tpu.enqueue_indirect_dma source(%dma_start3A_841 : memref<1000x64xf32, #tpu.memory_space<vmem_shared>>) target(%dma_start3A_835 : memref<96x64xf32, #tpu.memory_space<vmem>>) offsets(%dma_start3A_838 : memref<96xi32, #tpu.memory_space<vmem>>) semaphore(%arg11 : memref<!tpu.dma_semaphore, #tpu.memory_space<semaphore_mem>>)
      %dma_start3A_842 = arith.constant 2 : i32
      %dma_start3A_843 = arith.constant 2 : i32
      %dma_start3A_844 = arith.constant 0 : i32
      %dma_start3A_845 = arith.constant 0 : i32
      %dma_start3A_846 = tpu.memref_slice %arg8[%dma_start3A_843, %dma_start3A_844, %dma_start3A_845] : memref<4x200x64xf32, #tpu.memory_space<vmem>> -> memref<1x104x64xf32, #tpu.memory_space<vmem>>
      %dma_start3A_847 = tpu.memref_squeeze %dma_start3A_846 : memref<1x104x64xf32, #tpu.memory_space<vmem>> -> memref<104x64xf32, #tpu.memory_space<vmem>>
      %dma_start3A_848 = arith.constant 0 : i32
      %dma_start3A_849 = tpu.memref_slice %arg6[%dma_start3A_842, %dma_start3A_848] : memref<4x200xi32, #tpu.memory_space<vmem>> -> memref<1x104xi32, #tpu.memory_space<vmem>>
      %dma_start3A_850 = tpu.memref_squeeze %dma_start3A_849 : memref<1x104xi32, #tpu.memory_space<vmem>> -> memref<104xi32, #tpu.memory_space<vmem>>
      %dma_start3A_851 = arith.constant 0 : i32
      %dma_start3A_852 = arith.constant 0 : i32
      %dma_start3A_853 = tpu.memref_slice %arg5[%dma_start3A_851, %dma_start3A_852] : memref<1000x64xf32, #tpu.memory_space<vmem_shared>> -> memref<1000x64xf32, #tpu.memory_space<vmem_shared>>
      tpu.enqueue_indirect_dma source(%dma_start3A_853 : memref<1000x64xf32, #tpu.memory_space<vmem_shared>>) target(%dma_start3A_847 : memref<104x64xf32, #tpu.memory_space<vmem>>) offsets(%dma_start3A_850 : memref<104xi32, #tpu.memory_space<vmem>>) semaphore(%arg11 : memref<!tpu.dma_semaphore, #tpu.memory_space<semaphore_mem>>)
      %dma_start3A_854 = arith.constant 2 : i32
      %dma_start3A_855 = arith.constant 2 : i32
      %dma_start3A_856 = arith.constant 104 : i32
      %dma_start3A_857 = arith.constant 0 : i32
      %dma_start3A_858 = tpu.memref_slice %arg8[%dma_start3A_855, %dma_start3A_856, %dma_start3A_857] : memref<4x200x64xf32, #tpu.memory_space<vmem>> -> memref<1x96x64xf32, #tpu.memory_space<vmem>>
      %dma_start3A_859 = tpu.memref_squeeze %dma_start3A_858 : memref<1x96x64xf32, #tpu.memory_space<vmem>> -> memref<96x64xf32, #tpu.memory_space<vmem>>
      %dma_start3A_860 = arith.constant 104 : i32
      %dma_start3A_861 = tpu.memref_slice %arg6[%dma_start3A_854, %dma_start3A_860] : memref<4x200xi32, #tpu.memory_space<vmem>> -> memref<1x96xi32, #tpu.memory_space<vmem>>
      %dma_start3A_862 = tpu.memref_squeeze %dma_start3A_861 : memref<1x96xi32, #tpu.memory_space<vmem>> -> memref<96xi32, #tpu.memory_space<vmem>>
      %dma_start3A_863 = arith.constant 0 : i32
      %dma_start3A_864 = arith.constant 0 : i32
      %dma_start3A_865 = tpu.memref_slice %arg5[%dma_start3A_863, %dma_start3A_864] : memref<1000x64xf32, #tpu.memory_space<vmem_shared>> -> memref<1000x64xf32, #tpu.memory_space<vmem_shared>>
      tpu.enqueue_indirect_dma source(%dma_start3A_865 : memref<1000x64xf32, #tpu.memory_space<vmem_shared>>) target(%dma_start3A_859 : memref<96x64xf32, #tpu.memory_space<vmem>>) offsets(%dma_start3A_862 : memref<96xi32, #tpu.memory_space<vmem>>) semaphore(%arg11 : memref<!tpu.dma_semaphore, #tpu.memory_space<semaphore_mem>>)
      %dma_start3A_866 = arith.constant 3 : i32
      %dma_start3A_867 = arith.constant 3 : i32
      %dma_start3A_868 = arith.constant 0 : i32
      %dma_start3A_869 = arith.constant 0 : i32
      %dma_start3A_870 = tpu.memref_slice %arg8[%dma_start3A_867, %dma_start3A_868, %dma_start3A_869] : memref<4x200x64xf32, #tpu.memory_space<vmem>> -> memref<1x104x64xf32, #tpu.memory_space<vmem>>
      %dma_start3A_871 = tpu.memref_squeeze %dma_start3A_870 : memref<1x104x64xf32, #tpu.memory_space<vmem>> -> memref<104x64xf32, #tpu.memory_space<vmem>>
      %dma_start3A_872 = arith.constant 0 : i32
      %dma_start3A_873 = tpu.memref_slice %arg6[%dma_start3A_866, %dma_start3A_872] : memref<4x200xi32, #tpu.memory_space<vmem>> -> memref<1x104xi32, #tpu.memory_space<vmem>>
      %dma_start3A_874 = tpu.memref_squeeze %dma_start3A_873 : memref<1x104xi32, #tpu.memory_space<vmem>> -> memref<104xi32, #tpu.memory_space<vmem>>
      %dma_start3A_875 = arith.constant 0 : i32
      %dma_start3A_876 = arith.constant 0 : i32
      %dma_start3A_877 = tpu.memref_slice %arg5[%dma_start3A_875, %dma_start3A_876] : memref<1000x64xf32, #tpu.memory_space<vmem_shared>> -> memref<1000x64xf32, #tpu.memory_space<vmem_shared>>
      tpu.enqueue_indirect_dma source(%dma_start3A_877 : memref<1000x64xf32, #tpu.memory_space<vmem_shared>>) target(%dma_start3A_871 : memref<104x64xf32, #tpu.memory_space<vmem>>) offsets(%dma_start3A_874 : memref<104xi32, #tpu.memory_space<vmem>>) semaphore(%arg11 : memref<!tpu.dma_semaphore, #tpu.memory_space<semaphore_mem>>)
      %dma_start3A_878 = arith.constant 3 : i32
      %dma_start3A_879 = arith.constant 3 : i32
      %dma_start3A_880 = arith.constant 104 : i32
      %dma_start3A_881 = arith.constant 0 : i32
      %dma_start3A_882 = tpu.memref_slice %arg8[%dma_start3A_879, %dma_start3A_880, %dma_start3A_881] : memref<4x200x64xf32, #tpu.memory_space<vmem>> -> memref<1x96x64xf32, #tpu.memory_space<vmem>>
      %dma_start3A_883 = tpu.memref_squeeze %dma_start3A_882 : memref<1x96x64xf32, #tpu.memory_space<vmem>> -> memref<96x64xf32, #tpu.memory_space<vmem>>
      %dma_start3A_884 = arith.constant 104 : i32
      %dma_start3A_885 = tpu.memref_slice %arg6[%dma_start3A_878, %dma_start3A_884] : memref<4x200xi32, #tpu.memory_space<vmem>> -> memref<1x96xi32, #tpu.memory_space<vmem>>
      %dma_start3A_886 = tpu.memref_squeeze %dma_start3A_885 : memref<1x96xi32, #tpu.memory_space<vmem>> -> memref<96xi32, #tpu.memory_space<vmem>>
      %dma_start3A_887 = arith.constant 0 : i32
      %dma_start3A_888 = arith.constant 0 : i32
      %dma_start3A_889 = tpu.memref_slice %arg5[%dma_start3A_887, %dma_start3A_888] : memref<1000x64xf32, #tpu.memory_space<vmem_shared>> -> memref<1000x64xf32, #tpu.memory_space<vmem_shared>>
      tpu.enqueue_indirect_dma source(%dma_start3A_889 : memref<1000x64xf32, #tpu.memory_space<vmem_shared>>) target(%dma_start3A_883 : memref<96x64xf32, #tpu.memory_space<vmem>>) offsets(%dma_start3A_886 : memref<96xi32, #tpu.memory_space<vmem>>) semaphore(%arg11 : memref<!tpu.dma_semaphore, #tpu.memory_space<semaphore_mem>>)
      %add3A_890 = arith.constant 1 : i32
      %add3A_891 = arith.addi %add3A_665, %add3A_890 : i32
      %dma_wait3A_892 = arith.constant 0 : i32
      %dma_wait3A_893 = arith.constant 0 : i32
      %dma_wait3A_894 = arith.constant 0 : i32
      %dma_wait3A_895 = arith.constant 0 : i32
      %dma_wait3A_896 = tpu.memref_slice %arg8[%dma_wait3A_893, %dma_wait3A_894, %dma_wait3A_895] : memref<4x200x64xf32, #tpu.memory_space<vmem>> -> memref<1x104x64xf32, #tpu.memory_space<vmem>>
      %dma_wait3A_897 = tpu.memref_squeeze %dma_wait3A_896 : memref<1x104x64xf32, #tpu.memory_space<vmem>> -> memref<104x64xf32, #tpu.memory_space<vmem>>
      %dma_wait3A_898 = arith.constant 0 : i32
      %dma_wait3A_899 = tpu.memref_slice %arg6[%dma_wait3A_892, %dma_wait3A_898] : memref<4x200xi32, #tpu.memory_space<vmem>> -> memref<1x104xi32, #tpu.memory_space<vmem>>
      %dma_wait3A_900 = tpu.memref_squeeze %dma_wait3A_899 : memref<1x104xi32, #tpu.memory_space<vmem>> -> memref<104xi32, #tpu.memory_space<vmem>>
      %dma_wait3A_901 = arith.constant 0 : i32
      %dma_wait3A_902 = arith.constant 0 : i32
      %dma_wait3A_903 = tpu.memref_slice %arg5[%dma_wait3A_901, %dma_wait3A_902] : memref<1000x64xf32, #tpu.memory_space<vmem_shared>> -> memref<1000x64xf32, #tpu.memory_space<vmem_shared>>
      tpu.wait_indirect_dma semaphore(%arg11 : memref<!tpu.dma_semaphore, #tpu.memory_space<semaphore_mem>>) src(%dma_wait3A_903 : memref<1000x64xf32, #tpu.memory_space<vmem_shared>>) dst(%dma_wait3A_897 : memref<104x64xf32, #tpu.memory_space<vmem>>)
      %dma_wait3A_904 = arith.constant 0 : i32
      %dma_wait3A_905 = arith.constant 0 : i32
      %dma_wait3A_906 = arith.constant 104 : i32
      %dma_wait3A_907 = arith.constant 0 : i32
      %dma_wait3A_908 = tpu.memref_slice %arg8[%dma_wait3A_905, %dma_wait3A_906, %dma_wait3A_907] : memref<4x200x64xf32, #tpu.memory_space<vmem>> -> memref<1x96x64xf32, #tpu.memory_space<vmem>>
      %dma_wait3A_909 = tpu.memref_squeeze %dma_wait3A_908 : memref<1x96x64xf32, #tpu.memory_space<vmem>> -> memref<96x64xf32, #tpu.memory_space<vmem>>
      %dma_wait3A_910 = arith.constant 104 : i32
      %dma_wait3A_911 = tpu.memref_slice %arg6[%dma_wait3A_904, %dma_wait3A_910] : memref<4x200xi32, #tpu.memory_space<vmem>> -> memref<1x96xi32, #tpu.memory_space<vmem>>
      %dma_wait3A_912 = tpu.memref_squeeze %dma_wait3A_911 : memref<1x96xi32, #tpu.memory_space<vmem>> -> memref<96xi32, #tpu.memory_space<vmem>>
      %dma_wait3A_913 = arith.constant 0 : i32
      %dma_wait3A_914 = arith.constant 0 : i32
      %dma_wait3A_915 = tpu.memref_slice %arg5[%dma_wait3A_913, %dma_wait3A_914] : memref<1000x64xf32, #tpu.memory_space<vmem_shared>> -> memref<1000x64xf32, #tpu.memory_space<vmem_shared>>
      tpu.wait_indirect_dma semaphore(%arg11 : memref<!tpu.dma_semaphore, #tpu.memory_space<semaphore_mem>>) src(%dma_wait3A_915 : memref<1000x64xf32, #tpu.memory_space<vmem_shared>>) dst(%dma_wait3A_909 : memref<96x64xf32, #tpu.memory_space<vmem>>)
      %dma_wait3A_916 = arith.constant 1 : i32
      %dma_wait3A_917 = arith.constant 1 : i32
      %dma_wait3A_918 = arith.constant 0 : i32
      %dma_wait3A_919 = arith.constant 0 : i32
      %dma_wait3A_920 = tpu.memref_slice %arg8[%dma_wait3A_917, %dma_wait3A_918, %dma_wait3A_919] : memref<4x200x64xf32, #tpu.memory_space<vmem>> -> memref<1x104x64xf32, #tpu.memory_space<vmem>>
      %dma_wait3A_921 = tpu.memref_squeeze %dma_wait3A_920 : memref<1x104x64xf32, #tpu.memory_space<vmem>> -> memref<104x64xf32, #tpu.memory_space<vmem>>
      %dma_wait3A_922 = arith.constant 0 : i32
      %dma_wait3A_923 = tpu.memref_slice %arg6[%dma_wait3A_916, %dma_wait3A_922] : memref<4x200xi32, #tpu.memory_space<vmem>> -> memref<1x104xi32, #tpu.memory_space<vmem>>
      %dma_wait3A_924 = tpu.memref_squeeze %dma_wait3A_923 : memref<1x104xi32, #tpu.memory_space<vmem>> -> memref<104xi32, #tpu.memory_space<vmem>>
      %dma_wait3A_925 = arith.constant 0 : i32
      %dma_wait3A_926 = arith.constant 0 : i32
      %dma_wait3A_927 = tpu.memref_slice %arg5[%dma_wait3A_925, %dma_wait3A_926] : memref<1000x64xf32, #tpu.memory_space<vmem_shared>> -> memref<1000x64xf32, #tpu.memory_space<vmem_shared>>
      tpu.wait_indirect_dma semaphore(%arg11 : memref<!tpu.dma_semaphore, #tpu.memory_space<semaphore_mem>>) src(%dma_wait3A_927 : memref<1000x64xf32, #tpu.memory_space<vmem_shared>>) dst(%dma_wait3A_921 : memref<104x64xf32, #tpu.memory_space<vmem>>)
      %dma_wait3A_928 = arith.constant 1 : i32
      %dma_wait3A_929 = arith.constant 1 : i32
      %dma_wait3A_930 = arith.constant 104 : i32
      %dma_wait3A_931 = arith.constant 0 : i32
      %dma_wait3A_932 = tpu.memref_slice %arg8[%dma_wait3A_929, %dma_wait3A_930, %dma_wait3A_931] : memref<4x200x64xf32, #tpu.memory_space<vmem>> -> memref<1x96x64xf32, #tpu.memory_space<vmem>>
      %dma_wait3A_933 = tpu.memref_squeeze %dma_wait3A_932 : memref<1x96x64xf32, #tpu.memory_space<vmem>> -> memref<96x64xf32, #tpu.memory_space<vmem>>
      %dma_wait3A_934 = arith.constant 104 : i32
      %dma_wait3A_935 = tpu.memref_slice %arg6[%dma_wait3A_928, %dma_wait3A_934] : memref<4x200xi32, #tpu.memory_space<vmem>> -> memref<1x96xi32, #tpu.memory_space<vmem>>
      %dma_wait3A_936 = tpu.memref_squeeze %dma_wait3A_935 : memref<1x96xi32, #tpu.memory_space<vmem>> -> memref<96xi32, #tpu.memory_space<vmem>>
      %dma_wait3A_937 = arith.constant 0 : i32
      %dma_wait3A_938 = arith.constant 0 : i32
      %dma_wait3A_939 = tpu.memref_slice %arg5[%dma_wait3A_937, %dma_wait3A_938] : memref<1000x64xf32, #tpu.memory_space<vmem_shared>> -> memref<1000x64xf32, #tpu.memory_space<vmem_shared>>
      tpu.wait_indirect_dma semaphore(%arg11 : memref<!tpu.dma_semaphore, #tpu.memory_space<semaphore_mem>>) src(%dma_wait3A_939 : memref<1000x64xf32, #tpu.memory_space<vmem_shared>>) dst(%dma_wait3A_933 : memref<96x64xf32, #tpu.memory_space<vmem>>)
      %dma_wait3A_940 = arith.constant 2 : i32
      %dma_wait3A_941 = arith.constant 2 : i32
      %dma_wait3A_942 = arith.constant 0 : i32
      %dma_wait3A_943 = arith.constant 0 : i32
      %dma_wait3A_944 = tpu.memref_slice %arg8[%dma_wait3A_941, %dma_wait3A_942, %dma_wait3A_943] : memref<4x200x64xf32, #tpu.memory_space<vmem>> -> memref<1x104x64xf32, #tpu.memory_space<vmem>>
      %dma_wait3A_945 = tpu.memref_squeeze %dma_wait3A_944 : memref<1x104x64xf32, #tpu.memory_space<vmem>> -> memref<104x64xf32, #tpu.memory_space<vmem>>
      %dma_wait3A_946 = arith.constant 0 : i32
      %dma_wait3A_947 = tpu.memref_slice %arg6[%dma_wait3A_940, %dma_wait3A_946] : memref<4x200xi32, #tpu.memory_space<vmem>> -> memref<1x104xi32, #tpu.memory_space<vmem>>
      %dma_wait3A_948 = tpu.memref_squeeze %dma_wait3A_947 : memref<1x104xi32, #tpu.memory_space<vmem>> -> memref<104xi32, #tpu.memory_space<vmem>>
      %dma_wait3A_949 = arith.constant 0 : i32
      %dma_wait3A_950 = arith.constant 0 : i32
      %dma_wait3A_951 = tpu.memref_slice %arg5[%dma_wait3A_949, %dma_wait3A_950] : memref<1000x64xf32, #tpu.memory_space<vmem_shared>> -> memref<1000x64xf32, #tpu.memory_space<vmem_shared>>
      tpu.wait_indirect_dma semaphore(%arg11 : memref<!tpu.dma_semaphore, #tpu.memory_space<semaphore_mem>>) src(%dma_wait3A_951 : memref<1000x64xf32, #tpu.memory_space<vmem_shared>>) dst(%dma_wait3A_945 : memref<104x64xf32, #tpu.memory_space<vmem>>)
      %dma_wait3A_952 = arith.constant 2 : i32
      %dma_wait3A_953 = arith.constant 2 : i32
      %dma_wait3A_954 = arith.constant 104 : i32
      %dma_wait3A_955 = arith.constant 0 : i32
      %dma_wait3A_956 = tpu.memref_slice %arg8[%dma_wait3A_953, %dma_wait3A_954, %dma_wait3A_955] : memref<4x200x64xf32, #tpu.memory_space<vmem>> -> memref<1x96x64xf32, #tpu.memory_space<vmem>>
      %dma_wait3A_957 = tpu.memref_squeeze %dma_wait3A_956 : memref<1x96x64xf32, #tpu.memory_space<vmem>> -> memref<96x64xf32, #tpu.memory_space<vmem>>
      %dma_wait3A_958 = arith.constant 104 : i32
      %dma_wait3A_959 = tpu.memref_slice %arg6[%dma_wait3A_952, %dma_wait3A_958] : memref<4x200xi32, #tpu.memory_space<vmem>> -> memref<1x96xi32, #tpu.memory_space<vmem>>
      %dma_wait3A_960 = tpu.memref_squeeze %dma_wait3A_959 : memref<1x96xi32, #tpu.memory_space<vmem>> -> memref<96xi32, #tpu.memory_space<vmem>>
      %dma_wait3A_961 = arith.constant 0 : i32
      %dma_wait3A_962 = arith.constant 0 : i32
      %dma_wait3A_963 = tpu.memref_slice %arg5[%dma_wait3A_961, %dma_wait3A_962] : memref<1000x64xf32, #tpu.memory_space<vmem_shared>> -> memref<1000x64xf32, #tpu.memory_space<vmem_shared>>
      tpu.wait_indirect_dma semaphore(%arg11 : memref<!tpu.dma_semaphore, #tpu.memory_space<semaphore_mem>>) src(%dma_wait3A_963 : memref<1000x64xf32, #tpu.memory_space<vmem_shared>>) dst(%dma_wait3A_957 : memref<96x64xf32, #tpu.memory_space<vmem>>)
      %dma_wait3A_964 = arith.constant 3 : i32
      %dma_wait3A_965 = arith.constant 3 : i32
      %dma_wait3A_966 = arith.constant 0 : i32
      %dma_wait3A_967 = arith.constant 0 : i32
      %dma_wait3A_968 = tpu.memref_slice %arg8[%dma_wait3A_965, %dma_wait3A_966, %dma_wait3A_967] : memref<4x200x64xf32, #tpu.memory_space<vmem>> -> memref<1x104x64xf32, #tpu.memory_space<vmem>>
      %dma_wait3A_969 = tpu.memref_squeeze %dma_wait3A_968 : memref<1x104x64xf32, #tpu.memory_space<vmem>> -> memref<104x64xf32, #tpu.memory_space<vmem>>
      %dma_wait3A_970 = arith.constant 0 : i32
      %dma_wait3A_971 = tpu.memref_slice %arg6[%dma_wait3A_964, %dma_wait3A_970] : memref<4x200xi32, #tpu.memory_space<vmem>> -> memref<1x104xi32, #tpu.memory_space<vmem>>
      %dma_wait3A_972 = tpu.memref_squeeze %dma_wait3A_971 : memref<1x104xi32, #tpu.memory_space<vmem>> -> memref<104xi32, #tpu.memory_space<vmem>>
      %dma_wait3A_973 = arith.constant 0 : i32
      %dma_wait3A_974 = arith.constant 0 : i32
      %dma_wait3A_975 = tpu.memref_slice %arg5[%dma_wait3A_973, %dma_wait3A_974] : memref<1000x64xf32, #tpu.memory_space<vmem_shared>> -> memref<1000x64xf32, #tpu.memory_space<vmem_shared>>
      tpu.wait_indirect_dma semaphore(%arg11 : memref<!tpu.dma_semaphore, #tpu.memory_space<semaphore_mem>>) src(%dma_wait3A_975 : memref<1000x64xf32, #tpu.memory_space<vmem_shared>>) dst(%dma_wait3A_969 : memref<104x64xf32, #tpu.memory_space<vmem>>)
      %dma_wait3A_976 = arith.constant 3 : i32
      %dma_wait3A_977 = arith.constant 3 : i32
      %dma_wait3A_978 = arith.constant 104 : i32
      %dma_wait3A_979 = arith.constant 0 : i32
      %dma_wait3A_980 = tpu.memref_slice %arg8[%dma_wait3A_977, %dma_wait3A_978, %dma_wait3A_979] : memref<4x200x64xf32, #tpu.memory_space<vmem>> -> memref<1x96x64xf32, #tpu.memory_space<vmem>>
      %dma_wait3A_981 = tpu.memref_squeeze %dma_wait3A_980 : memref<1x96x64xf32, #tpu.memory_space<vmem>> -> memref<96x64xf32, #tpu.memory_space<vmem>>
      %dma_wait3A_982 = arith.constant 104 : i32
      %dma_wait3A_983 = tpu.memref_slice %arg6[%dma_wait3A_976, %dma_wait3A_982] : memref<4x200xi32, #tpu.memory_space<vmem>> -> memref<1x96xi32, #tpu.memory_space<vmem>>
      %dma_wait3A_984 = tpu.memref_squeeze %dma_wait3A_983 : memref<1x96xi32, #tpu.memory_space<vmem>> -> memref<96xi32, #tpu.memory_space<vmem>>
      %dma_wait3A_985 = arith.constant 0 : i32
      %dma_wait3A_986 = arith.constant 0 : i32
      %dma_wait3A_987 = tpu.memref_slice %arg5[%dma_wait3A_985, %dma_wait3A_986] : memref<1000x64xf32, #tpu.memory_space<vmem_shared>> -> memref<1000x64xf32, #tpu.memory_space<vmem_shared>>
      tpu.wait_indirect_dma semaphore(%arg11 : memref<!tpu.dma_semaphore, #tpu.memory_space<semaphore_mem>>) src(%dma_wait3A_987 : memref<1000x64xf32, #tpu.memory_space<vmem_shared>>) dst(%dma_wait3A_981 : memref<96x64xf32, #tpu.memory_space<vmem>>)
      %add3A_988 = arith.constant 2 : i32
      %add3A_989 = arith.addi %add3A_891, %add3A_988 : i32
      %min3A_990 = arith.constant 127 : i32
      %min3A_991 = arith.minsi %add3A_989, %min3A_990 : i32
      %mul3A_992 = arith.constant 4 : i32
      %mul3A_993 = arith.muli %min3A_991, %mul3A_992 : i32
      %add3A_994 = arith.addi %mul3A_2, %mul3A_993 : i32
      %dma_start3A_995 = arith.constant 0 : i32
      %dma_start3A_996 = tpu.memref_slice %arg3[%add3A_994, %dma_start3A_995] : memref<16384x200xi32, #tpu.memory_space<hbm>> -> memref<4x200xi32, #tpu.memory_space<hbm>>
      %dma_start3A_997 = arith.constant 0 : i32
      %dma_start3A_998 = tpu.memref_slice %arg3[%add3A_994, %dma_start3A_997] : memref<16384x200xi32, #tpu.memory_space<hbm>> -> memref<4x200xi32, #tpu.memory_space<hbm>>
      tpu.enqueue_dma source(%dma_start3A_998 : memref<4x200xi32, #tpu.memory_space<hbm>>) target(%arg6 : memref<4x200xi32, #tpu.memory_space<vmem>>) target_semaphore(%arg10 : memref<!tpu.dma_semaphore, #tpu.memory_space<semaphore_mem>>)
      %min3A_999 = arith.constant 127 : i32
      %min3A_1000 = arith.minsi %add3A_891, %min3A_999 : i32
      %mul3A_1001 = arith.constant 4 : i32
      %mul3A_1002 = arith.muli %min3A_1000, %mul3A_1001 : i32
      %add3A_1003 = arith.addi %mul3A_2, %mul3A_1002 : i32
      %dma_start3A_1004 = arith.constant 0 : i32
      %dma_start3A_1005 = arith.constant 0 : i32
      %dma_start3A_1006 = tpu.memref_slice %arg4[%add3A_1003, %dma_start3A_1004, %dma_start3A_1005] : memref<16384x200x64xf32, #tpu.memory_space<hbm>> -> memref<4x200x64xf32, #tpu.memory_space<hbm>>
      %dma_start3A_1007 = arith.constant 0 : i32
      %dma_start3A_1008 = arith.constant 0 : i32
      %dma_start3A_1009 = tpu.memref_slice %arg4[%add3A_1003, %dma_start3A_1007, %dma_start3A_1008] : memref<16384x200x64xf32, #tpu.memory_space<hbm>> -> memref<4x200x64xf32, #tpu.memory_space<hbm>>
      tpu.enqueue_dma source(%arg8 : memref<4x200x64xf32, #tpu.memory_space<vmem>>) target(%dma_start3A_1009 : memref<4x200x64xf32, #tpu.memory_space<hbm>>) target_semaphore(%arg12 : memref<!tpu.dma_semaphore, #tpu.memory_space<semaphore_mem>>)
      %dma_wait3A_1010 = arith.constant 0 : i32
      %dma_wait3A_1011 = arith.constant 0 : i32
      %dma_wait3A_1012 = tpu.memref_slice %arg4[%mul3A_2, %dma_wait3A_1010, %dma_wait3A_1011] : memref<16384x200x64xf32, #tpu.memory_space<hbm>> -> memref<4x200x64xf32, #tpu.memory_space<hbm>>
      %dma_wait3A_1013 = arith.constant 0 : i32
      %dma_wait3A_1014 = arith.constant 0 : i32
      %dma_wait3A_1015 = tpu.memref_slice %arg4[%mul3A_2, %dma_wait3A_1013, %dma_wait3A_1014] : memref<16384x200x64xf32, #tpu.memory_space<hbm>> -> memref<4x200x64xf32, #tpu.memory_space<hbm>>
      tpu.wait_dma2 semaphore(%arg12 : memref<!tpu.dma_semaphore, #tpu.memory_space<semaphore_mem>>) src(%arg9 : memref<4x200x64xf32, #tpu.memory_space<vmem>>) dst(%dma_wait3A_1015 : memref<4x200x64xf32, #tpu.memory_space<hbm>>)
      %dma_wait3A_1016 = arith.constant 0 : i32
      %dma_wait3A_1017 = tpu.memref_slice %arg3[%mul3A_2, %dma_wait3A_1016] : memref<16384x200xi32, #tpu.memory_space<hbm>> -> memref<4x200xi32, #tpu.memory_space<hbm>>
      %dma_wait3A_1018 = arith.constant 0 : i32
      %dma_wait3A_1019 = tpu.memref_slice %arg3[%mul3A_2, %dma_wait3A_1018] : memref<16384x200xi32, #tpu.memory_space<hbm>> -> memref<4x200xi32, #tpu.memory_space<hbm>>
      tpu.wait_dma2 semaphore(%arg10 : memref<!tpu.dma_semaphore, #tpu.memory_space<semaphore_mem>>) src(%dma_wait3A_1019 : memref<4x200xi32, #tpu.memory_space<hbm>>) dst(%arg7 : memref<4x200xi32, #tpu.memory_space<vmem>>)
      %dma_start3A_1020 = arith.constant 0 : i32
      %dma_start3A_1021 = arith.constant 0 : i32
      %dma_start3A_1022 = arith.constant 0 : i32
      %dma_start3A_1023 = arith.constant 0 : i32
      %dma_start3A_1024 = tpu.memref_slice %arg9[%dma_start3A_1021, %dma_start3A_1022, %dma_start3A_1023] : memref<4x200x64xf32, #tpu.memory_space<vmem>> -> memref<1x104x64xf32, #tpu.memory_space<vmem>>
      %dma_start3A_1025 = tpu.memref_squeeze %dma_start3A_1024 : memref<1x104x64xf32, #tpu.memory_space<vmem>> -> memref<104x64xf32, #tpu.memory_space<vmem>>
      %dma_start3A_1026 = arith.constant 0 : i32
      %dma_start3A_1027 = tpu.memref_slice %arg7[%dma_start3A_1020, %dma_start3A_1026] : memref<4x200xi32, #tpu.memory_space<vmem>> -> memref<1x104xi32, #tpu.memory_space<vmem>>
      %dma_start3A_1028 = tpu.memref_squeeze %dma_start3A_1027 : memref<1x104xi32, #tpu.memory_space<vmem>> -> memref<104xi32, #tpu.memory_space<vmem>>
      %dma_start3A_1029 = arith.constant 0 : i32
      %dma_start3A_1030 = arith.constant 0 : i32
      %dma_start3A_1031 = tpu.memref_slice %arg5[%dma_start3A_1029, %dma_start3A_1030] : memref<1000x64xf32, #tpu.memory_space<vmem_shared>> -> memref<1000x64xf32, #tpu.memory_space<vmem_shared>>
      tpu.enqueue_indirect_dma source(%dma_start3A_1031 : memref<1000x64xf32, #tpu.memory_space<vmem_shared>>) target(%dma_start3A_1025 : memref<104x64xf32, #tpu.memory_space<vmem>>) offsets(%dma_start3A_1028 : memref<104xi32, #tpu.memory_space<vmem>>) semaphore(%arg11 : memref<!tpu.dma_semaphore, #tpu.memory_space<semaphore_mem>>)
      %dma_start3A_1032 = arith.constant 0 : i32
      %dma_start3A_1033 = arith.constant 0 : i32
      %dma_start3A_1034 = arith.constant 104 : i32
      %dma_start3A_1035 = arith.constant 0 : i32
      %dma_start3A_1036 = tpu.memref_slice %arg9[%dma_start3A_1033, %dma_start3A_1034, %dma_start3A_1035] : memref<4x200x64xf32, #tpu.memory_space<vmem>> -> memref<1x96x64xf32, #tpu.memory_space<vmem>>
      %dma_start3A_1037 = tpu.memref_squeeze %dma_start3A_1036 : memref<1x96x64xf32, #tpu.memory_space<vmem>> -> memref<96x64xf32, #tpu.memory_space<vmem>>
      %dma_start3A_1038 = arith.constant 104 : i32
      %dma_start3A_1039 = tpu.memref_slice %arg7[%dma_start3A_1032, %dma_start3A_1038] : memref<4x200xi32, #tpu.memory_space<vmem>> -> memref<1x96xi32, #tpu.memory_space<vmem>>
      %dma_start3A_1040 = tpu.memref_squeeze %dma_start3A_1039 : memref<1x96xi32, #tpu.memory_space<vmem>> -> memref<96xi32, #tpu.memory_space<vmem>>
      %dma_start3A_1041 = arith.constant 0 : i32
      %dma_start3A_1042 = arith.constant 0 : i32
      %dma_start3A_1043 = tpu.memref_slice %arg5[%dma_start3A_1041, %dma_start3A_1042] : memref<1000x64xf32, #tpu.memory_space<vmem_shared>> -> memref<1000x64xf32, #tpu.memory_space<vmem_shared>>
      tpu.enqueue_indirect_dma source(%dma_start3A_1043 : memref<1000x64xf32, #tpu.memory_space<vmem_shared>>) target(%dma_start3A_1037 : memref<96x64xf32, #tpu.memory_space<vmem>>) offsets(%dma_start3A_1040 : memref<96xi32, #tpu.memory_space<vmem>>) semaphore(%arg11 : memref<!tpu.dma_semaphore, #tpu.memory_space<semaphore_mem>>)
      %dma_start3A_1044 = arith.constant 1 : i32
      %dma_start3A_1045 = arith.constant 1 : i32
      %dma_start3A_1046 = arith.constant 0 : i32
      %dma_start3A_1047 = arith.constant 0 : i32
      %dma_start3A_1048 = tpu.memref_slice %arg9[%dma_start3A_1045, %dma_start3A_1046, %dma_start3A_1047] : memref<4x200x64xf32, #tpu.memory_space<vmem>> -> memref<1x104x64xf32, #tpu.memory_space<vmem>>
      %dma_start3A_1049 = tpu.memref_squeeze %dma_start3A_1048 : memref<1x104x64xf32, #tpu.memory_space<vmem>> -> memref<104x64xf32, #tpu.memory_space<vmem>>
      %dma_start3A_1050 = arith.constant 0 : i32
      %dma_start3A_1051 = tpu.memref_slice %arg7[%dma_start3A_1044, %dma_start3A_1050] : memref<4x200xi32, #tpu.memory_space<vmem>> -> memref<1x104xi32, #tpu.memory_space<vmem>>
      %dma_start3A_1052 = tpu.memref_squeeze %dma_start3A_1051 : memref<1x104xi32, #tpu.memory_space<vmem>> -> memref<104xi32, #tpu.memory_space<vmem>>
      %dma_start3A_1053 = arith.constant 0 : i32
      %dma_start3A_1054 = arith.constant 0 : i32
      %dma_start3A_1055 = tpu.memref_slice %arg5[%dma_start3A_1053, %dma_start3A_1054] : memref<1000x64xf32, #tpu.memory_space<vmem_shared>> -> memref<1000x64xf32, #tpu.memory_space<vmem_shared>>
      tpu.enqueue_indirect_dma source(%dma_start3A_1055 : memref<1000x64xf32, #tpu.memory_space<vmem_shared>>) target(%dma_start3A_1049 : memref<104x64xf32, #tpu.memory_space<vmem>>) offsets(%dma_start3A_1052 : memref<104xi32, #tpu.memory_space<vmem>>) semaphore(%arg11 : memref<!tpu.dma_semaphore, #tpu.memory_space<semaphore_mem>>)
      %dma_start3A_1056 = arith.constant 1 : i32
      %dma_start3A_1057 = arith.constant 1 : i32
      %dma_start3A_1058 = arith.constant 104 : i32
      %dma_start3A_1059 = arith.constant 0 : i32
      %dma_start3A_1060 = tpu.memref_slice %arg9[%dma_start3A_1057, %dma_start3A_1058, %dma_start3A_1059] : memref<4x200x64xf32, #tpu.memory_space<vmem>> -> memref<1x96x64xf32, #tpu.memory_space<vmem>>
      %dma_start3A_1061 = tpu.memref_squeeze %dma_start3A_1060 : memref<1x96x64xf32, #tpu.memory_space<vmem>> -> memref<96x64xf32, #tpu.memory_space<vmem>>
      %dma_start3A_1062 = arith.constant 104 : i32
      %dma_start3A_1063 = tpu.memref_slice %arg7[%dma_start3A_1056, %dma_start3A_1062] : memref<4x200xi32, #tpu.memory_space<vmem>> -> memref<1x96xi32, #tpu.memory_space<vmem>>
      %dma_start3A_1064 = tpu.memref_squeeze %dma_start3A_1063 : memref<1x96xi32, #tpu.memory_space<vmem>> -> memref<96xi32, #tpu.memory_space<vmem>>
      %dma_start3A_1065 = arith.constant 0 : i32
      %dma_start3A_1066 = arith.constant 0 : i32
      %dma_start3A_1067 = tpu.memref_slice %arg5[%dma_start3A_1065, %dma_start3A_1066] : memref<1000x64xf32, #tpu.memory_space<vmem_shared>> -> memref<1000x64xf32, #tpu.memory_space<vmem_shared>>
      tpu.enqueue_indirect_dma source(%dma_start3A_1067 : memref<1000x64xf32, #tpu.memory_space<vmem_shared>>) target(%dma_start3A_1061 : memref<96x64xf32, #tpu.memory_space<vmem>>) offsets(%dma_start3A_1064 : memref<96xi32, #tpu.memory_space<vmem>>) semaphore(%arg11 : memref<!tpu.dma_semaphore, #tpu.memory_space<semaphore_mem>>)
      %dma_start3A_1068 = arith.constant 2 : i32
      %dma_start3A_1069 = arith.constant 2 : i32
      %dma_start3A_1070 = arith.constant 0 : i32
      %dma_start3A_1071 = arith.constant 0 : i32
      %dma_start3A_1072 = tpu.memref_slice %arg9[%dma_start3A_1069, %dma_start3A_1070, %dma_start3A_1071] : memref<4x200x64xf32, #tpu.memory_space<vmem>> -> memref<1x104x64xf32, #tpu.memory_space<vmem>>
      %dma_start3A_1073 = tpu.memref_squeeze %dma_start3A_1072 : memref<1x104x64xf32, #tpu.memory_space<vmem>> -> memref<104x64xf32, #tpu.memory_space<vmem>>
      %dma_start3A_1074 = arith.constant 0 : i32
      %dma_start3A_1075 = tpu.memref_slice %arg7[%dma_start3A_1068, %dma_start3A_1074] : memref<4x200xi32, #tpu.memory_space<vmem>> -> memref<1x104xi32, #tpu.memory_space<vmem>>
      %dma_start3A_1076 = tpu.memref_squeeze %dma_start3A_1075 : memref<1x104xi32, #tpu.memory_space<vmem>> -> memref<104xi32, #tpu.memory_space<vmem>>
      %dma_start3A_1077 = arith.constant 0 : i32
      %dma_start3A_1078 = arith.constant 0 : i32
      %dma_start3A_1079 = tpu.memref_slice %arg5[%dma_start3A_1077, %dma_start3A_1078] : memref<1000x64xf32, #tpu.memory_space<vmem_shared>> -> memref<1000x64xf32, #tpu.memory_space<vmem_shared>>
      tpu.enqueue_indirect_dma source(%dma_start3A_1079 : memref<1000x64xf32, #tpu.memory_space<vmem_shared>>) target(%dma_start3A_1073 : memref<104x64xf32, #tpu.memory_space<vmem>>) offsets(%dma_start3A_1076 : memref<104xi32, #tpu.memory_space<vmem>>) semaphore(%arg11 : memref<!tpu.dma_semaphore, #tpu.memory_space<semaphore_mem>>)
      %dma_start3A_1080 = arith.constant 2 : i32
      %dma_start3A_1081 = arith.constant 2 : i32
      %dma_start3A_1082 = arith.constant 104 : i32
      %dma_start3A_1083 = arith.constant 0 : i32
      %dma_start3A_1084 = tpu.memref_slice %arg9[%dma_start3A_1081, %dma_start3A_1082, %dma_start3A_1083] : memref<4x200x64xf32, #tpu.memory_space<vmem>> -> memref<1x96x64xf32, #tpu.memory_space<vmem>>
      %dma_start3A_1085 = tpu.memref_squeeze %dma_start3A_1084 : memref<1x96x64xf32, #tpu.memory_space<vmem>> -> memref<96x64xf32, #tpu.memory_space<vmem>>
      %dma_start3A_1086 = arith.constant 104 : i32
      %dma_start3A_1087 = tpu.memref_slice %arg7[%dma_start3A_1080, %dma_start3A_1086] : memref<4x200xi32, #tpu.memory_space<vmem>> -> memref<1x96xi32, #tpu.memory_space<vmem>>
      %dma_start3A_1088 = tpu.memref_squeeze %dma_start3A_1087 : memref<1x96xi32, #tpu.memory_space<vmem>> -> memref<96xi32, #tpu.memory_space<vmem>>
      %dma_start3A_1089 = arith.constant 0 : i32
      %dma_start3A_1090 = arith.constant 0 : i32
      %dma_start3A_1091 = tpu.memref_slice %arg5[%dma_start3A_1089, %dma_start3A_1090] : memref<1000x64xf32, #tpu.memory_space<vmem_shared>> -> memref<1000x64xf32, #tpu.memory_space<vmem_shared>>
      tpu.enqueue_indirect_dma source(%dma_start3A_1091 : memref<1000x64xf32, #tpu.memory_space<vmem_shared>>) target(%dma_start3A_1085 : memref<96x64xf32, #tpu.memory_space<vmem>>) offsets(%dma_start3A_1088 : memref<96xi32, #tpu.memory_space<vmem>>) semaphore(%arg11 : memref<!tpu.dma_semaphore, #tpu.memory_space<semaphore_mem>>)
      %dma_start3A_1092 = arith.constant 3 : i32
      %dma_start3A_1093 = arith.constant 3 : i32
      %dma_start3A_1094 = arith.constant 0 : i32
      %dma_start3A_1095 = arith.constant 0 : i32
      %dma_start3A_1096 = tpu.memref_slice %arg9[%dma_start3A_1093, %dma_start3A_1094, %dma_start3A_1095] : memref<4x200x64xf32, #tpu.memory_space<vmem>> -> memref<1x104x64xf32, #tpu.memory_space<vmem>>
      %dma_start3A_1097 = tpu.memref_squeeze %dma_start3A_1096 : memref<1x104x64xf32, #tpu.memory_space<vmem>> -> memref<104x64xf32, #tpu.memory_space<vmem>>
      %dma_start3A_1098 = arith.constant 0 : i32
      %dma_start3A_1099 = tpu.memref_slice %arg7[%dma_start3A_1092, %dma_start3A_1098] : memref<4x200xi32, #tpu.memory_space<vmem>> -> memref<1x104xi32, #tpu.memory_space<vmem>>
      %dma_start3A_1100 = tpu.memref_squeeze %dma_start3A_1099 : memref<1x104xi32, #tpu.memory_space<vmem>> -> memref<104xi32, #tpu.memory_space<vmem>>
      %dma_start3A_1101 = arith.constant 0 : i32
      %dma_start3A_1102 = arith.constant 0 : i32
      %dma_start3A_1103 = tpu.memref_slice %arg5[%dma_start3A_1101, %dma_start3A_1102] : memref<1000x64xf32, #tpu.memory_space<vmem_shared>> -> memref<1000x64xf32, #tpu.memory_space<vmem_shared>>
      tpu.enqueue_indirect_dma source(%dma_start3A_1103 : memref<1000x64xf32, #tpu.memory_space<vmem_shared>>) target(%dma_start3A_1097 : memref<104x64xf32, #tpu.memory_space<vmem>>) offsets(%dma_start3A_1100 : memref<104xi32, #tpu.memory_space<vmem>>) semaphore(%arg11 : memref<!tpu.dma_semaphore, #tpu.memory_space<semaphore_mem>>)
      %dma_start3A_1104 = arith.constant 3 : i32
      %dma_start3A_1105 = arith.constant 3 : i32
      %dma_start3A_1106 = arith.constant 104 : i32
      %dma_start3A_1107 = arith.constant 0 : i32
      %dma_start3A_1108 = tpu.memref_slice %arg9[%dma_start3A_1105, %dma_start3A_1106, %dma_start3A_1107] : memref<4x200x64xf32, #tpu.memory_space<vmem>> -> memref<1x96x64xf32, #tpu.memory_space<vmem>>
      %dma_start3A_1109 = tpu.memref_squeeze %dma_start3A_1108 : memref<1x96x64xf32, #tpu.memory_space<vmem>> -> memref<96x64xf32, #tpu.memory_space<vmem>>
      %dma_start3A_1110 = arith.constant 104 : i32
      %dma_start3A_1111 = tpu.memref_slice %arg7[%dma_start3A_1104, %dma_start3A_1110] : memref<4x200xi32, #tpu.memory_space<vmem>> -> memref<1x96xi32, #tpu.memory_space<vmem>>
      %dma_start3A_1112 = tpu.memref_squeeze %dma_start3A_1111 : memref<1x96xi32, #tpu.memory_space<vmem>> -> memref<96xi32, #tpu.memory_space<vmem>>
      %dma_start3A_1113 = arith.constant 0 : i32
      %dma_start3A_1114 = arith.constant 0 : i32
      %dma_start3A_1115 = tpu.memref_slice %arg5[%dma_start3A_1113, %dma_start3A_1114] : memref<1000x64xf32, #tpu.memory_space<vmem_shared>> -> memref<1000x64xf32, #tpu.memory_space<vmem_shared>>
      tpu.enqueue_indirect_dma source(%dma_start3A_1115 : memref<1000x64xf32, #tpu.memory_space<vmem_shared>>) target(%dma_start3A_1109 : memref<96x64xf32, #tpu.memory_space<vmem>>) offsets(%dma_start3A_1112 : memref<96xi32, #tpu.memory_space<vmem>>) semaphore(%arg11 : memref<!tpu.dma_semaphore, #tpu.memory_space<semaphore_mem>>)
    }
    %scan3A_330 = arith.constant 63 : i32
    %dma_wait3A_331 = arith.constant 0 : i32
    %dma_wait3A_332 = arith.constant 0 : i32
    %dma_wait3A_333 = arith.constant 0 : i32
    %dma_wait3A_334 = arith.constant 0 : i32
    %dma_wait3A_335 = tpu.memref_slice %arg9[%dma_wait3A_332, %dma_wait3A_333, %dma_wait3A_334] : memref<4x200x64xf32, #tpu.memory_space<vmem>> -> memref<1x104x64xf32, #tpu.memory_space<vmem>>
    %dma_wait3A_336 = tpu.memref_squeeze %dma_wait3A_335 : memref<1x104x64xf32, #tpu.memory_space<vmem>> -> memref<104x64xf32, #tpu.memory_space<vmem>>
    %dma_wait3A_337 = arith.constant 0 : i32
    %dma_wait3A_338 = tpu.memref_slice %arg7[%dma_wait3A_331, %dma_wait3A_337] : memref<4x200xi32, #tpu.memory_space<vmem>> -> memref<1x104xi32, #tpu.memory_space<vmem>>
    %dma_wait3A_339 = tpu.memref_squeeze %dma_wait3A_338 : memref<1x104xi32, #tpu.memory_space<vmem>> -> memref<104xi32, #tpu.memory_space<vmem>>
    %dma_wait3A_340 = arith.constant 0 : i32
    %dma_wait3A_341 = arith.constant 0 : i32
    %dma_wait3A_342 = tpu.memref_slice %arg5[%dma_wait3A_340, %dma_wait3A_341] : memref<1000x64xf32, #tpu.memory_space<vmem_shared>> -> memref<1000x64xf32, #tpu.memory_space<vmem_shared>>
    tpu.wait_indirect_dma semaphore(%arg11 : memref<!tpu.dma_semaphore, #tpu.memory_space<semaphore_mem>>) src(%dma_wait3A_342 : memref<1000x64xf32, #tpu.memory_space<vmem_shared>>) dst(%dma_wait3A_336 : memref<104x64xf32, #tpu.memory_space<vmem>>)
    %dma_wait3A_343 = arith.constant 0 : i32
    %dma_wait3A_344 = arith.constant 0 : i32
    %dma_wait3A_345 = arith.constant 104 : i32
    %dma_wait3A_346 = arith.constant 0 : i32
    %dma_wait3A_347 = tpu.memref_slice %arg9[%dma_wait3A_344, %dma_wait3A_345, %dma_wait3A_346] : memref<4x200x64xf32, #tpu.memory_space<vmem>> -> memref<1x96x64xf32, #tpu.memory_space<vmem>>
    %dma_wait3A_348 = tpu.memref_squeeze %dma_wait3A_347 : memref<1x96x64xf32, #tpu.memory_space<vmem>> -> memref<96x64xf32, #tpu.memory_space<vmem>>
    %dma_wait3A_349 = arith.constant 104 : i32
    %dma_wait3A_350 = tpu.memref_slice %arg7[%dma_wait3A_343, %dma_wait3A_349] : memref<4x200xi32, #tpu.memory_space<vmem>> -> memref<1x96xi32, #tpu.memory_space<vmem>>
    %dma_wait3A_351 = tpu.memref_squeeze %dma_wait3A_350 : memref<1x96xi32, #tpu.memory_space<vmem>> -> memref<96xi32, #tpu.memory_space<vmem>>
    %dma_wait3A_352 = arith.constant 0 : i32
    %dma_wait3A_353 = arith.constant 0 : i32
    %dma_wait3A_354 = tpu.memref_slice %arg5[%dma_wait3A_352, %dma_wait3A_353] : memref<1000x64xf32, #tpu.memory_space<vmem_shared>> -> memref<1000x64xf32, #tpu.memory_space<vmem_shared>>
    tpu.wait_indirect_dma semaphore(%arg11 : memref<!tpu.dma_semaphore, #tpu.memory_space<semaphore_mem>>) src(%dma_wait3A_354 : memref<1000x64xf32, #tpu.memory_space<vmem_shared>>) dst(%dma_wait3A_348 : memref<96x64xf32, #tpu.memory_space<vmem>>)
    %dma_wait3A_355 = arith.constant 1 : i32
    %dma_wait3A_356 = arith.constant 1 : i32
    %dma_wait3A_357 = arith.constant 0 : i32
    %dma_wait3A_358 = arith.constant 0 : i32
    %dma_wait3A_359 = tpu.memref_slice %arg9[%dma_wait3A_356, %dma_wait3A_357, %dma_wait3A_358] : memref<4x200x64xf32, #tpu.memory_space<vmem>> -> memref<1x104x64xf32, #tpu.memory_space<vmem>>
    %dma_wait3A_360 = tpu.memref_squeeze %dma_wait3A_359 : memref<1x104x64xf32, #tpu.memory_space<vmem>> -> memref<104x64xf32, #tpu.memory_space<vmem>>
    %dma_wait3A_361 = arith.constant 0 : i32
    %dma_wait3A_362 = tpu.memref_slice %arg7[%dma_wait3A_355, %dma_wait3A_361] : memref<4x200xi32, #tpu.memory_space<vmem>> -> memref<1x104xi32, #tpu.memory_space<vmem>>
    %dma_wait3A_363 = tpu.memref_squeeze %dma_wait3A_362 : memref<1x104xi32, #tpu.memory_space<vmem>> -> memref<104xi32, #tpu.memory_space<vmem>>
    %dma_wait3A_364 = arith.constant 0 : i32
    %dma_wait3A_365 = arith.constant 0 : i32
    %dma_wait3A_366 = tpu.memref_slice %arg5[%dma_wait3A_364, %dma_wait3A_365] : memref<1000x64xf32, #tpu.memory_space<vmem_shared>> -> memref<1000x64xf32, #tpu.memory_space<vmem_shared>>
    tpu.wait_indirect_dma semaphore(%arg11 : memref<!tpu.dma_semaphore, #tpu.memory_space<semaphore_mem>>) src(%dma_wait3A_366 : memref<1000x64xf32, #tpu.memory_space<vmem_shared>>) dst(%dma_wait3A_360 : memref<104x64xf32, #tpu.memory_space<vmem>>)
    %dma_wait3A_367 = arith.constant 1 : i32
    %dma_wait3A_368 = arith.constant 1 : i32
    %dma_wait3A_369 = arith.constant 104 : i32
    %dma_wait3A_370 = arith.constant 0 : i32
    %dma_wait3A_371 = tpu.memref_slice %arg9[%dma_wait3A_368, %dma_wait3A_369, %dma_wait3A_370] : memref<4x200x64xf32, #tpu.memory_space<vmem>> -> memref<1x96x64xf32, #tpu.memory_space<vmem>>
    %dma_wait3A_372 = tpu.memref_squeeze %dma_wait3A_371 : memref<1x96x64xf32, #tpu.memory_space<vmem>> -> memref<96x64xf32, #tpu.memory_space<vmem>>
    %dma_wait3A_373 = arith.constant 104 : i32
    %dma_wait3A_374 = tpu.memref_slice %arg7[%dma_wait3A_367, %dma_wait3A_373] : memref<4x200xi32, #tpu.memory_space<vmem>> -> memref<1x96xi32, #tpu.memory_space<vmem>>
    %dma_wait3A_375 = tpu.memref_squeeze %dma_wait3A_374 : memref<1x96xi32, #tpu.memory_space<vmem>> -> memref<96xi32, #tpu.memory_space<vmem>>
    %dma_wait3A_376 = arith.constant 0 : i32
    %dma_wait3A_377 = arith.constant 0 : i32
    %dma_wait3A_378 = tpu.memref_slice %arg5[%dma_wait3A_376, %dma_wait3A_377] : memref<1000x64xf32, #tpu.memory_space<vmem_shared>> -> memref<1000x64xf32, #tpu.memory_space<vmem_shared>>
    tpu.wait_indirect_dma semaphore(%arg11 : memref<!tpu.dma_semaphore, #tpu.memory_space<semaphore_mem>>) src(%dma_wait3A_378 : memref<1000x64xf32, #tpu.memory_space<vmem_shared>>) dst(%dma_wait3A_372 : memref<96x64xf32, #tpu.memory_space<vmem>>)
    %dma_wait3A_379 = arith.constant 2 : i32
    %dma_wait3A_380 = arith.constant 2 : i32
    %dma_wait3A_381 = arith.constant 0 : i32
    %dma_wait3A_382 = arith.constant 0 : i32
    %dma_wait3A_383 = tpu.memref_slice %arg9[%dma_wait3A_380, %dma_wait3A_381, %dma_wait3A_382] : memref<4x200x64xf32, #tpu.memory_space<vmem>> -> memref<1x104x64xf32, #tpu.memory_space<vmem>>
    %dma_wait3A_384 = tpu.memref_squeeze %dma_wait3A_383 : memref<1x104x64xf32, #tpu.memory_space<vmem>> -> memref<104x64xf32, #tpu.memory_space<vmem>>
    %dma_wait3A_385 = arith.constant 0 : i32
    %dma_wait3A_386 = tpu.memref_slice %arg7[%dma_wait3A_379, %dma_wait3A_385] : memref<4x200xi32, #tpu.memory_space<vmem>> -> memref<1x104xi32, #tpu.memory_space<vmem>>
    %dma_wait3A_387 = tpu.memref_squeeze %dma_wait3A_386 : memref<1x104xi32, #tpu.memory_space<vmem>> -> memref<104xi32, #tpu.memory_space<vmem>>
    %dma_wait3A_388 = arith.constant 0 : i32
    %dma_wait3A_389 = arith.constant 0 : i32
    %dma_wait3A_390 = tpu.memref_slice %arg5[%dma_wait3A_388, %dma_wait3A_389] : memref<1000x64xf32, #tpu.memory_space<vmem_shared>> -> memref<1000x64xf32, #tpu.memory_space<vmem_shared>>
    tpu.wait_indirect_dma semaphore(%arg11 : memref<!tpu.dma_semaphore, #tpu.memory_space<semaphore_mem>>) src(%dma_wait3A_390 : memref<1000x64xf32, #tpu.memory_space<vmem_shared>>) dst(%dma_wait3A_384 : memref<104x64xf32, #tpu.memory_space<vmem>>)
    %dma_wait3A_391 = arith.constant 2 : i32
    %dma_wait3A_392 = arith.constant 2 : i32
    %dma_wait3A_393 = arith.constant 104 : i32
    %dma_wait3A_394 = arith.constant 0 : i32
    %dma_wait3A_395 = tpu.memref_slice %arg9[%dma_wait3A_392, %dma_wait3A_393, %dma_wait3A_394] : memref<4x200x64xf32, #tpu.memory_space<vmem>> -> memref<1x96x64xf32, #tpu.memory_space<vmem>>
    %dma_wait3A_396 = tpu.memref_squeeze %dma_wait3A_395 : memref<1x96x64xf32, #tpu.memory_space<vmem>> -> memref<96x64xf32, #tpu.memory_space<vmem>>
    %dma_wait3A_397 = arith.constant 104 : i32
    %dma_wait3A_398 = tpu.memref_slice %arg7[%dma_wait3A_391, %dma_wait3A_397] : memref<4x200xi32, #tpu.memory_space<vmem>> -> memref<1x96xi32, #tpu.memory_space<vmem>>
    %dma_wait3A_399 = tpu.memref_squeeze %dma_wait3A_398 : memref<1x96xi32, #tpu.memory_space<vmem>> -> memref<96xi32, #tpu.memory_space<vmem>>
    %dma_wait3A_400 = arith.constant 0 : i32
    %dma_wait3A_401 = arith.constant 0 : i32
    %dma_wait3A_402 = tpu.memref_slice %arg5[%dma_wait3A_400, %dma_wait3A_401] : memref<1000x64xf32, #tpu.memory_space<vmem_shared>> -> memref<1000x64xf32, #tpu.memory_space<vmem_shared>>
    tpu.wait_indirect_dma semaphore(%arg11 : memref<!tpu.dma_semaphore, #tpu.memory_space<semaphore_mem>>) src(%dma_wait3A_402 : memref<1000x64xf32, #tpu.memory_space<vmem_shared>>) dst(%dma_wait3A_396 : memref<96x64xf32, #tpu.memory_space<vmem>>)
    %dma_wait3A_403 = arith.constant 3 : i32
    %dma_wait3A_404 = arith.constant 3 : i32
    %dma_wait3A_405 = arith.constant 0 : i32
    %dma_wait3A_406 = arith.constant 0 : i32
    %dma_wait3A_407 = tpu.memref_slice %arg9[%dma_wait3A_404, %dma_wait3A_405, %dma_wait3A_406] : memref<4x200x64xf32, #tpu.memory_space<vmem>> -> memref<1x104x64xf32, #tpu.memory_space<vmem>>
    %dma_wait3A_408 = tpu.memref_squeeze %dma_wait3A_407 : memref<1x104x64xf32, #tpu.memory_space<vmem>> -> memref<104x64xf32, #tpu.memory_space<vmem>>
    %dma_wait3A_409 = arith.constant 0 : i32
    %dma_wait3A_410 = tpu.memref_slice %arg7[%dma_wait3A_403, %dma_wait3A_409] : memref<4x200xi32, #tpu.memory_space<vmem>> -> memref<1x104xi32, #tpu.memory_space<vmem>>
    %dma_wait3A_411 = tpu.memref_squeeze %dma_wait3A_410 : memref<1x104xi32, #tpu.memory_space<vmem>> -> memref<104xi32, #tpu.memory_space<vmem>>
    %dma_wait3A_412 = arith.constant 0 : i32
    %dma_wait3A_413 = arith.constant 0 : i32
    %dma_wait3A_414 = tpu.memref_slice %arg5[%dma_wait3A_412, %dma_wait3A_413] : memref<1000x64xf32, #tpu.memory_space<vmem_shared>> -> memref<1000x64xf32, #tpu.memory_space<vmem_shared>>
    tpu.wait_indirect_dma semaphore(%arg11 : memref<!tpu.dma_semaphore, #tpu.memory_space<semaphore_mem>>) src(%dma_wait3A_414 : memref<1000x64xf32, #tpu.memory_space<vmem_shared>>) dst(%dma_wait3A_408 : memref<104x64xf32, #tpu.memory_space<vmem>>)
    %dma_wait3A_415 = arith.constant 3 : i32
    %dma_wait3A_416 = arith.constant 3 : i32
    %dma_wait3A_417 = arith.constant 104 : i32
    %dma_wait3A_418 = arith.constant 0 : i32
    %dma_wait3A_419 = tpu.memref_slice %arg9[%dma_wait3A_416, %dma_wait3A_417, %dma_wait3A_418] : memref<4x200x64xf32, #tpu.memory_space<vmem>> -> memref<1x96x64xf32, #tpu.memory_space<vmem>>
    %dma_wait3A_420 = tpu.memref_squeeze %dma_wait3A_419 : memref<1x96x64xf32, #tpu.memory_space<vmem>> -> memref<96x64xf32, #tpu.memory_space<vmem>>
    %dma_wait3A_421 = arith.constant 104 : i32
    %dma_wait3A_422 = tpu.memref_slice %arg7[%dma_wait3A_415, %dma_wait3A_421] : memref<4x200xi32, #tpu.memory_space<vmem>> -> memref<1x96xi32, #tpu.memory_space<vmem>>
    %dma_wait3A_423 = tpu.memref_squeeze %dma_wait3A_422 : memref<1x96xi32, #tpu.memory_space<vmem>> -> memref<96xi32, #tpu.memory_space<vmem>>
    %dma_wait3A_424 = arith.constant 0 : i32
    %dma_wait3A_425 = arith.constant 0 : i32
    %dma_wait3A_426 = tpu.memref_slice %arg5[%dma_wait3A_424, %dma_wait3A_425] : memref<1000x64xf32, #tpu.memory_space<vmem_shared>> -> memref<1000x64xf32, #tpu.memory_space<vmem_shared>>
    tpu.wait_indirect_dma semaphore(%arg11 : memref<!tpu.dma_semaphore, #tpu.memory_space<semaphore_mem>>) src(%dma_wait3A_426 : memref<1000x64xf32, #tpu.memory_space<vmem_shared>>) dst(%dma_wait3A_420 : memref<96x64xf32, #tpu.memory_space<vmem>>)
    %min3A_427 = arith.constant 129 : i32
    %min3A_428 = arith.constant 127 : i32
    %min3A_429 = arith.minsi %min3A_427, %min3A_428 : i32
    %mul3A_430 = arith.constant 4 : i32
    %mul3A_431 = arith.muli %min3A_429, %mul3A_430 : i32
    %add3A_432 = arith.addi %mul3A_2, %mul3A_431 : i32
    %dma_start3A_433 = arith.constant 0 : i32
    %dma_start3A_434 = tpu.memref_slice %arg3[%add3A_432, %dma_start3A_433] : memref<16384x200xi32, #tpu.memory_space<hbm>> -> memref<4x200xi32, #tpu.memory_space<hbm>>
    %dma_start3A_435 = arith.constant 0 : i32
    %dma_start3A_436 = tpu.memref_slice %arg3[%add3A_432, %dma_start3A_435] : memref<16384x200xi32, #tpu.memory_space<hbm>> -> memref<4x200xi32, #tpu.memory_space<hbm>>
    tpu.enqueue_dma source(%dma_start3A_436 : memref<4x200xi32, #tpu.memory_space<hbm>>) target(%arg7 : memref<4x200xi32, #tpu.memory_space<vmem>>) target_semaphore(%arg10 : memref<!tpu.dma_semaphore, #tpu.memory_space<semaphore_mem>>)
    %min3A_437 = arith.constant 127 : i32
    %min3A_438 = arith.constant 127 : i32
    %min3A_439 = arith.minsi %min3A_437, %min3A_438 : i32
    %mul3A_440 = arith.constant 4 : i32
    %mul3A_441 = arith.muli %min3A_439, %mul3A_440 : i32
    %add3A_442 = arith.addi %mul3A_2, %mul3A_441 : i32
    %dma_start3A_443 = arith.constant 0 : i32
    %dma_start3A_444 = arith.constant 0 : i32
    %dma_start3A_445 = tpu.memref_slice %arg4[%add3A_442, %dma_start3A_443, %dma_start3A_444] : memref<16384x200x64xf32, #tpu.memory_space<hbm>> -> memref<4x200x64xf32, #tpu.memory_space<hbm>>
    %dma_start3A_446 = arith.constant 0 : i32
    %dma_start3A_447 = arith.constant 0 : i32
    %dma_start3A_448 = tpu.memref_slice %arg4[%add3A_442, %dma_start3A_446, %dma_start3A_447] : memref<16384x200x64xf32, #tpu.memory_space<hbm>> -> memref<4x200x64xf32, #tpu.memory_space<hbm>>
    tpu.enqueue_dma source(%arg9 : memref<4x200x64xf32, #tpu.memory_space<vmem>>) target(%dma_start3A_448 : memref<4x200x64xf32, #tpu.memory_space<hbm>>) target_semaphore(%arg12 : memref<!tpu.dma_semaphore, #tpu.memory_space<semaphore_mem>>)
    %dma_wait3A_449 = arith.constant 0 : i32
    %dma_wait3A_450 = arith.constant 0 : i32
    %dma_wait3A_451 = tpu.memref_slice %arg4[%mul3A_2, %dma_wait3A_449, %dma_wait3A_450] : memref<16384x200x64xf32, #tpu.memory_space<hbm>> -> memref<4x200x64xf32, #tpu.memory_space<hbm>>
    %dma_wait3A_452 = arith.constant 0 : i32
    %dma_wait3A_453 = arith.constant 0 : i32
    %dma_wait3A_454 = tpu.memref_slice %arg4[%mul3A_2, %dma_wait3A_452, %dma_wait3A_453] : memref<16384x200x64xf32, #tpu.memory_space<hbm>> -> memref<4x200x64xf32, #tpu.memory_space<hbm>>
    tpu.wait_dma2 semaphore(%arg12 : memref<!tpu.dma_semaphore, #tpu.memory_space<semaphore_mem>>) src(%arg8 : memref<4x200x64xf32, #tpu.memory_space<vmem>>) dst(%dma_wait3A_454 : memref<4x200x64xf32, #tpu.memory_space<hbm>>)
    %dma_wait3A_455 = arith.constant 0 : i32
    %dma_wait3A_456 = tpu.memref_slice %arg3[%mul3A_2, %dma_wait3A_455] : memref<16384x200xi32, #tpu.memory_space<hbm>> -> memref<4x200xi32, #tpu.memory_space<hbm>>
    %dma_wait3A_457 = arith.constant 0 : i32
    %dma_wait3A_458 = tpu.memref_slice %arg3[%mul3A_2, %dma_wait3A_457] : memref<16384x200xi32, #tpu.memory_space<hbm>> -> memref<4x200xi32, #tpu.memory_space<hbm>>
    tpu.wait_dma2 semaphore(%arg10 : memref<!tpu.dma_semaphore, #tpu.memory_space<semaphore_mem>>) src(%dma_wait3A_458 : memref<4x200xi32, #tpu.memory_space<hbm>>) dst(%arg6 : memref<4x200xi32, #tpu.memory_space<vmem>>)
    %dma_start3A_459 = arith.constant 0 : i32
    %dma_start3A_460 = arith.constant 0 : i32
    %dma_start3A_461 = arith.constant 0 : i32
    %dma_start3A_462 = arith.constant 0 : i32
    %dma_start3A_463 = tpu.memref_slice %arg8[%dma_start3A_460, %dma_start3A_461, %dma_start3A_462] : memref<4x200x64xf32, #tpu.memory_space<vmem>> -> memref<1x104x64xf32, #tpu.memory_space<vmem>>
    %dma_start3A_464 = tpu.memref_squeeze %dma_start3A_463 : memref<1x104x64xf32, #tpu.memory_space<vmem>> -> memref<104x64xf32, #tpu.memory_space<vmem>>
    %dma_start3A_465 = arith.constant 0 : i32
    %dma_start3A_466 = tpu.memref_slice %arg6[%dma_start3A_459, %dma_start3A_465] : memref<4x200xi32, #tpu.memory_space<vmem>> -> memref<1x104xi32, #tpu.memory_space<vmem>>
    %dma_start3A_467 = tpu.memref_squeeze %dma_start3A_466 : memref<1x104xi32, #tpu.memory_space<vmem>> -> memref<104xi32, #tpu.memory_space<vmem>>
    %dma_start3A_468 = arith.constant 0 : i32
    %dma_start3A_469 = arith.constant 0 : i32
    %dma_start3A_470 = tpu.memref_slice %arg5[%dma_start3A_468, %dma_start3A_469] : memref<1000x64xf32, #tpu.memory_space<vmem_shared>> -> memref<1000x64xf32, #tpu.memory_space<vmem_shared>>
    tpu.enqueue_indirect_dma source(%dma_start3A_470 : memref<1000x64xf32, #tpu.memory_space<vmem_shared>>) target(%dma_start3A_464 : memref<104x64xf32, #tpu.memory_space<vmem>>) offsets(%dma_start3A_467 : memref<104xi32, #tpu.memory_space<vmem>>) semaphore(%arg11 : memref<!tpu.dma_semaphore, #tpu.memory_space<semaphore_mem>>)
    %dma_start3A_471 = arith.constant 0 : i32
    %dma_start3A_472 = arith.constant 0 : i32
    %dma_start3A_473 = arith.constant 104 : i32
    %dma_start3A_474 = arith.constant 0 : i32
    %dma_start3A_475 = tpu.memref_slice %arg8[%dma_start3A_472, %dma_start3A_473, %dma_start3A_474] : memref<4x200x64xf32, #tpu.memory_space<vmem>> -> memref<1x96x64xf32, #tpu.memory_space<vmem>>
    %dma_start3A_476 = tpu.memref_squeeze %dma_start3A_475 : memref<1x96x64xf32, #tpu.memory_space<vmem>> -> memref<96x64xf32, #tpu.memory_space<vmem>>
    %dma_start3A_477 = arith.constant 104 : i32
    %dma_start3A_478 = tpu.memref_slice %arg6[%dma_start3A_471, %dma_start3A_477] : memref<4x200xi32, #tpu.memory_space<vmem>> -> memref<1x96xi32, #tpu.memory_space<vmem>>
    %dma_start3A_479 = tpu.memref_squeeze %dma_start3A_478 : memref<1x96xi32, #tpu.memory_space<vmem>> -> memref<96xi32, #tpu.memory_space<vmem>>
    %dma_start3A_480 = arith.constant 0 : i32
    %dma_start3A_481 = arith.constant 0 : i32
    %dma_start3A_482 = tpu.memref_slice %arg5[%dma_start3A_480, %dma_start3A_481] : memref<1000x64xf32, #tpu.memory_space<vmem_shared>> -> memref<1000x64xf32, #tpu.memory_space<vmem_shared>>
    tpu.enqueue_indirect_dma source(%dma_start3A_482 : memref<1000x64xf32, #tpu.memory_space<vmem_shared>>) target(%dma_start3A_476 : memref<96x64xf32, #tpu.memory_space<vmem>>) offsets(%dma_start3A_479 : memref<96xi32, #tpu.memory_space<vmem>>) semaphore(%arg11 : memref<!tpu.dma_semaphore, #tpu.memory_space<semaphore_mem>>)
    %dma_start3A_483 = arith.constant 1 : i32
    %dma_start3A_484 = arith.constant 1 : i32
    %dma_start3A_485 = arith.constant 0 : i32
    %dma_start3A_486 = arith.constant 0 : i32
    %dma_start3A_487 = tpu.memref_slice %arg8[%dma_start3A_484, %dma_start3A_485, %dma_start3A_486] : memref<4x200x64xf32, #tpu.memory_space<vmem>> -> memref<1x104x64xf32, #tpu.memory_space<vmem>>
    %dma_start3A_488 = tpu.memref_squeeze %dma_start3A_487 : memref<1x104x64xf32, #tpu.memory_space<vmem>> -> memref<104x64xf32, #tpu.memory_space<vmem>>
    %dma_start3A_489 = arith.constant 0 : i32
    %dma_start3A_490 = tpu.memref_slice %arg6[%dma_start3A_483, %dma_start3A_489] : memref<4x200xi32, #tpu.memory_space<vmem>> -> memref<1x104xi32, #tpu.memory_space<vmem>>
    %dma_start3A_491 = tpu.memref_squeeze %dma_start3A_490 : memref<1x104xi32, #tpu.memory_space<vmem>> -> memref<104xi32, #tpu.memory_space<vmem>>
    %dma_start3A_492 = arith.constant 0 : i32
    %dma_start3A_493 = arith.constant 0 : i32
    %dma_start3A_494 = tpu.memref_slice %arg5[%dma_start3A_492, %dma_start3A_493] : memref<1000x64xf32, #tpu.memory_space<vmem_shared>> -> memref<1000x64xf32, #tpu.memory_space<vmem_shared>>
    tpu.enqueue_indirect_dma source(%dma_start3A_494 : memref<1000x64xf32, #tpu.memory_space<vmem_shared>>) target(%dma_start3A_488 : memref<104x64xf32, #tpu.memory_space<vmem>>) offsets(%dma_start3A_491 : memref<104xi32, #tpu.memory_space<vmem>>) semaphore(%arg11 : memref<!tpu.dma_semaphore, #tpu.memory_space<semaphore_mem>>)
    %dma_start3A_495 = arith.constant 1 : i32
    %dma_start3A_496 = arith.constant 1 : i32
    %dma_start3A_497 = arith.constant 104 : i32
    %dma_start3A_498 = arith.constant 0 : i32
    %dma_start3A_499 = tpu.memref_slice %arg8[%dma_start3A_496, %dma_start3A_497, %dma_start3A_498] : memref<4x200x64xf32, #tpu.memory_space<vmem>> -> memref<1x96x64xf32, #tpu.memory_space<vmem>>
    %dma_start3A_500 = tpu.memref_squeeze %dma_start3A_499 : memref<1x96x64xf32, #tpu.memory_space<vmem>> -> memref<96x64xf32, #tpu.memory_space<vmem>>
    %dma_start3A_501 = arith.constant 104 : i32
    %dma_start3A_502 = tpu.memref_slice %arg6[%dma_start3A_495, %dma_start3A_501] : memref<4x200xi32, #tpu.memory_space<vmem>> -> memref<1x96xi32, #tpu.memory_space<vmem>>
    %dma_start3A_503 = tpu.memref_squeeze %dma_start3A_502 : memref<1x96xi32, #tpu.memory_space<vmem>> -> memref<96xi32, #tpu.memory_space<vmem>>
    %dma_start3A_504 = arith.constant 0 : i32
    %dma_start3A_505 = arith.constant 0 : i32
    %dma_start3A_506 = tpu.memref_slice %arg5[%dma_start3A_504, %dma_start3A_505] : memref<1000x64xf32, #tpu.memory_space<vmem_shared>> -> memref<1000x64xf32, #tpu.memory_space<vmem_shared>>
    tpu.enqueue_indirect_dma source(%dma_start3A_506 : memref<1000x64xf32, #tpu.memory_space<vmem_shared>>) target(%dma_start3A_500 : memref<96x64xf32, #tpu.memory_space<vmem>>) offsets(%dma_start3A_503 : memref<96xi32, #tpu.memory_space<vmem>>) semaphore(%arg11 : memref<!tpu.dma_semaphore, #tpu.memory_space<semaphore_mem>>)
    %dma_start3A_507 = arith.constant 2 : i32
    %dma_start3A_508 = arith.constant 2 : i32
    %dma_start3A_509 = arith.constant 0 : i32
    %dma_start3A_510 = arith.constant 0 : i32
    %dma_start3A_511 = tpu.memref_slice %arg8[%dma_start3A_508, %dma_start3A_509, %dma_start3A_510] : memref<4x200x64xf32, #tpu.memory_space<vmem>> -> memref<1x104x64xf32, #tpu.memory_space<vmem>>
    %dma_start3A_512 = tpu.memref_squeeze %dma_start3A_511 : memref<1x104x64xf32, #tpu.memory_space<vmem>> -> memref<104x64xf32, #tpu.memory_space<vmem>>
    %dma_start3A_513 = arith.constant 0 : i32
    %dma_start3A_514 = tpu.memref_slice %arg6[%dma_start3A_507, %dma_start3A_513] : memref<4x200xi32, #tpu.memory_space<vmem>> -> memref<1x104xi32, #tpu.memory_space<vmem>>
    %dma_start3A_515 = tpu.memref_squeeze %dma_start3A_514 : memref<1x104xi32, #tpu.memory_space<vmem>> -> memref<104xi32, #tpu.memory_space<vmem>>
    %dma_start3A_516 = arith.constant 0 : i32
    %dma_start3A_517 = arith.constant 0 : i32
    %dma_start3A_518 = tpu.memref_slice %arg5[%dma_start3A_516, %dma_start3A_517] : memref<1000x64xf32, #tpu.memory_space<vmem_shared>> -> memref<1000x64xf32, #tpu.memory_space<vmem_shared>>
    tpu.enqueue_indirect_dma source(%dma_start3A_518 : memref<1000x64xf32, #tpu.memory_space<vmem_shared>>) target(%dma_start3A_512 : memref<104x64xf32, #tpu.memory_space<vmem>>) offsets(%dma_start3A_515 : memref<104xi32, #tpu.memory_space<vmem>>) semaphore(%arg11 : memref<!tpu.dma_semaphore, #tpu.memory_space<semaphore_mem>>)
    %dma_start3A_519 = arith.constant 2 : i32
    %dma_start3A_520 = arith.constant 2 : i32
    %dma_start3A_521 = arith.constant 104 : i32
    %dma_start3A_522 = arith.constant 0 : i32
    %dma_start3A_523 = tpu.memref_slice %arg8[%dma_start3A_520, %dma_start3A_521, %dma_start3A_522] : memref<4x200x64xf32, #tpu.memory_space<vmem>> -> memref<1x96x64xf32, #tpu.memory_space<vmem>>
    %dma_start3A_524 = tpu.memref_squeeze %dma_start3A_523 : memref<1x96x64xf32, #tpu.memory_space<vmem>> -> memref<96x64xf32, #tpu.memory_space<vmem>>
    %dma_start3A_525 = arith.constant 104 : i32
    %dma_start3A_526 = tpu.memref_slice %arg6[%dma_start3A_519, %dma_start3A_525] : memref<4x200xi32, #tpu.memory_space<vmem>> -> memref<1x96xi32, #tpu.memory_space<vmem>>
    %dma_start3A_527 = tpu.memref_squeeze %dma_start3A_526 : memref<1x96xi32, #tpu.memory_space<vmem>> -> memref<96xi32, #tpu.memory_space<vmem>>
    %dma_start3A_528 = arith.constant 0 : i32
    %dma_start3A_529 = arith.constant 0 : i32
    %dma_start3A_530 = tpu.memref_slice %arg5[%dma_start3A_528, %dma_start3A_529] : memref<1000x64xf32, #tpu.memory_space<vmem_shared>> -> memref<1000x64xf32, #tpu.memory_space<vmem_shared>>
    tpu.enqueue_indirect_dma source(%dma_start3A_530 : memref<1000x64xf32, #tpu.memory_space<vmem_shared>>) target(%dma_start3A_524 : memref<96x64xf32, #tpu.memory_space<vmem>>) offsets(%dma_start3A_527 : memref<96xi32, #tpu.memory_space<vmem>>) semaphore(%arg11 : memref<!tpu.dma_semaphore, #tpu.memory_space<semaphore_mem>>)
    %dma_start3A_531 = arith.constant 3 : i32
    %dma_start3A_532 = arith.constant 3 : i32
    %dma_start3A_533 = arith.constant 0 : i32
    %dma_start3A_534 = arith.constant 0 : i32
    %dma_start3A_535 = tpu.memref_slice %arg8[%dma_start3A_532, %dma_start3A_533, %dma_start3A_534] : memref<4x200x64xf32, #tpu.memory_space<vmem>> -> memref<1x104x64xf32, #tpu.memory_space<vmem>>
    %dma_start3A_536 = tpu.memref_squeeze %dma_start3A_535 : memref<1x104x64xf32, #tpu.memory_space<vmem>> -> memref<104x64xf32, #tpu.memory_space<vmem>>
    %dma_start3A_537 = arith.constant 0 : i32
    %dma_start3A_538 = tpu.memref_slice %arg6[%dma_start3A_531, %dma_start3A_537] : memref<4x200xi32, #tpu.memory_space<vmem>> -> memref<1x104xi32, #tpu.memory_space<vmem>>
    %dma_start3A_539 = tpu.memref_squeeze %dma_start3A_538 : memref<1x104xi32, #tpu.memory_space<vmem>> -> memref<104xi32, #tpu.memory_space<vmem>>
    %dma_start3A_540 = arith.constant 0 : i32
    %dma_start3A_541 = arith.constant 0 : i32
    %dma_start3A_542 = tpu.memref_slice %arg5[%dma_start3A_540, %dma_start3A_541] : memref<1000x64xf32, #tpu.memory_space<vmem_shared>> -> memref<1000x64xf32, #tpu.memory_space<vmem_shared>>
    tpu.enqueue_indirect_dma source(%dma_start3A_542 : memref<1000x64xf32, #tpu.memory_space<vmem_shared>>) target(%dma_start3A_536 : memref<104x64xf32, #tpu.memory_space<vmem>>) offsets(%dma_start3A_539 : memref<104xi32, #tpu.memory_space<vmem>>) semaphore(%arg11 : memref<!tpu.dma_semaphore, #tpu.memory_space<semaphore_mem>>)
    %dma_start3A_543 = arith.constant 3 : i32
    %dma_start3A_544 = arith.constant 3 : i32
    %dma_start3A_545 = arith.constant 104 : i32
    %dma_start3A_546 = arith.constant 0 : i32
    %dma_start3A_547 = tpu.memref_slice %arg8[%dma_start3A_544, %dma_start3A_545, %dma_start3A_546] : memref<4x200x64xf32, #tpu.memory_space<vmem>> -> memref<1x96x64xf32, #tpu.memory_space<vmem>>
    %dma_start3A_548 = tpu.memref_squeeze %dma_start3A_547 : memref<1x96x64xf32, #tpu.memory_space<vmem>> -> memref<96x64xf32, #tpu.memory_space<vmem>>
    %dma_start3A_549 = arith.constant 104 : i32
    %dma_start3A_550 = tpu.memref_slice %arg6[%dma_start3A_543, %dma_start3A_549] : memref<4x200xi32, #tpu.memory_space<vmem>> -> memref<1x96xi32, #tpu.memory_space<vmem>>
    %dma_start3A_551 = tpu.memref_squeeze %dma_start3A_550 : memref<1x96xi32, #tpu.memory_space<vmem>> -> memref<96xi32, #tpu.memory_space<vmem>>
    %dma_start3A_552 = arith.constant 0 : i32
    %dma_start3A_553 = arith.constant 0 : i32
    %dma_start3A_554 = tpu.memref_slice %arg5[%dma_start3A_552, %dma_start3A_553] : memref<1000x64xf32, #tpu.memory_space<vmem_shared>> -> memref<1000x64xf32, #tpu.memory_space<vmem_shared>>
    tpu.enqueue_indirect_dma source(%dma_start3A_554 : memref<1000x64xf32, #tpu.memory_space<vmem_shared>>) target(%dma_start3A_548 : memref<96x64xf32, #tpu.memory_space<vmem>>) offsets(%dma_start3A_551 : memref<96xi32, #tpu.memory_space<vmem>>) semaphore(%arg11 : memref<!tpu.dma_semaphore, #tpu.memory_space<semaphore_mem>>)
    %dma_wait3A_555 = arith.constant 0 : i32
    %dma_wait3A_556 = arith.constant 0 : i32
    %dma_wait3A_557 = arith.constant 0 : i32
    %dma_wait3A_558 = arith.constant 0 : i32
    %dma_wait3A_559 = tpu.memref_slice %arg8[%dma_wait3A_556, %dma_wait3A_557, %dma_wait3A_558] : memref<4x200x64xf32, #tpu.memory_space<vmem>> -> memref<1x104x64xf32, #tpu.memory_space<vmem>>
    %dma_wait3A_560 = tpu.memref_squeeze %dma_wait3A_559 : memref<1x104x64xf32, #tpu.memory_space<vmem>> -> memref<104x64xf32, #tpu.memory_space<vmem>>
    %dma_wait3A_561 = arith.constant 0 : i32
    %dma_wait3A_562 = tpu.memref_slice %arg6[%dma_wait3A_555, %dma_wait3A_561] : memref<4x200xi32, #tpu.memory_space<vmem>> -> memref<1x104xi32, #tpu.memory_space<vmem>>
    %dma_wait3A_563 = tpu.memref_squeeze %dma_wait3A_562 : memref<1x104xi32, #tpu.memory_space<vmem>> -> memref<104xi32, #tpu.memory_space<vmem>>
    %dma_wait3A_564 = arith.constant 0 : i32
    %dma_wait3A_565 = arith.constant 0 : i32
    %dma_wait3A_566 = tpu.memref_slice %arg5[%dma_wait3A_564, %dma_wait3A_565] : memref<1000x64xf32, #tpu.memory_space<vmem_shared>> -> memref<1000x64xf32, #tpu.memory_space<vmem_shared>>
    tpu.wait_indirect_dma semaphore(%arg11 : memref<!tpu.dma_semaphore, #tpu.memory_space<semaphore_mem>>) src(%dma_wait3A_566 : memref<1000x64xf32, #tpu.memory_space<vmem_shared>>) dst(%dma_wait3A_560 : memref<104x64xf32, #tpu.memory_space<vmem>>)
    %dma_wait3A_567 = arith.constant 0 : i32
    %dma_wait3A_568 = arith.constant 0 : i32
    %dma_wait3A_569 = arith.constant 104 : i32
    %dma_wait3A_570 = arith.constant 0 : i32
    %dma_wait3A_571 = tpu.memref_slice %arg8[%dma_wait3A_568, %dma_wait3A_569, %dma_wait3A_570] : memref<4x200x64xf32, #tpu.memory_space<vmem>> -> memref<1x96x64xf32, #tpu.memory_space<vmem>>
    %dma_wait3A_572 = tpu.memref_squeeze %dma_wait3A_571 : memref<1x96x64xf32, #tpu.memory_space<vmem>> -> memref<96x64xf32, #tpu.memory_space<vmem>>
    %dma_wait3A_573 = arith.constant 104 : i32
    %dma_wait3A_574 = tpu.memref_slice %arg6[%dma_wait3A_567, %dma_wait3A_573] : memref<4x200xi32, #tpu.memory_space<vmem>> -> memref<1x96xi32, #tpu.memory_space<vmem>>
    %dma_wait3A_575 = tpu.memref_squeeze %dma_wait3A_574 : memref<1x96xi32, #tpu.memory_space<vmem>> -> memref<96xi32, #tpu.memory_space<vmem>>
    %dma_wait3A_576 = arith.constant 0 : i32
    %dma_wait3A_577 = arith.constant 0 : i32
    %dma_wait3A_578 = tpu.memref_slice %arg5[%dma_wait3A_576, %dma_wait3A_577] : memref<1000x64xf32, #tpu.memory_space<vmem_shared>> -> memref<1000x64xf32, #tpu.memory_space<vmem_shared>>
    tpu.wait_indirect_dma semaphore(%arg11 : memref<!tpu.dma_semaphore, #tpu.memory_space<semaphore_mem>>) src(%dma_wait3A_578 : memref<1000x64xf32, #tpu.memory_space<vmem_shared>>) dst(%dma_wait3A_572 : memref<96x64xf32, #tpu.memory_space<vmem>>)
    %dma_wait3A_579 = arith.constant 1 : i32
    %dma_wait3A_580 = arith.constant 1 : i32
    %dma_wait3A_581 = arith.constant 0 : i32
    %dma_wait3A_582 = arith.constant 0 : i32
    %dma_wait3A_583 = tpu.memref_slice %arg8[%dma_wait3A_580, %dma_wait3A_581, %dma_wait3A_582] : memref<4x200x64xf32, #tpu.memory_space<vmem>> -> memref<1x104x64xf32, #tpu.memory_space<vmem>>
    %dma_wait3A_584 = tpu.memref_squeeze %dma_wait3A_583 : memref<1x104x64xf32, #tpu.memory_space<vmem>> -> memref<104x64xf32, #tpu.memory_space<vmem>>
    %dma_wait3A_585 = arith.constant 0 : i32
    %dma_wait3A_586 = tpu.memref_slice %arg6[%dma_wait3A_579, %dma_wait3A_585] : memref<4x200xi32, #tpu.memory_space<vmem>> -> memref<1x104xi32, #tpu.memory_space<vmem>>
    %dma_wait3A_587 = tpu.memref_squeeze %dma_wait3A_586 : memref<1x104xi32, #tpu.memory_space<vmem>> -> memref<104xi32, #tpu.memory_space<vmem>>
    %dma_wait3A_588 = arith.constant 0 : i32
    %dma_wait3A_589 = arith.constant 0 : i32
    %dma_wait3A_590 = tpu.memref_slice %arg5[%dma_wait3A_588, %dma_wait3A_589] : memref<1000x64xf32, #tpu.memory_space<vmem_shared>> -> memref<1000x64xf32, #tpu.memory_space<vmem_shared>>
    tpu.wait_indirect_dma semaphore(%arg11 : memref<!tpu.dma_semaphore, #tpu.memory_space<semaphore_mem>>) src(%dma_wait3A_590 : memref<1000x64xf32, #tpu.memory_space<vmem_shared>>) dst(%dma_wait3A_584 : memref<104x64xf32, #tpu.memory_space<vmem>>)
    %dma_wait3A_591 = arith.constant 1 : i32
    %dma_wait3A_592 = arith.constant 1 : i32
    %dma_wait3A_593 = arith.constant 104 : i32
    %dma_wait3A_594 = arith.constant 0 : i32
    %dma_wait3A_595 = tpu.memref_slice %arg8[%dma_wait3A_592, %dma_wait3A_593, %dma_wait3A_594] : memref<4x200x64xf32, #tpu.memory_space<vmem>> -> memref<1x96x64xf32, #tpu.memory_space<vmem>>
    %dma_wait3A_596 = tpu.memref_squeeze %dma_wait3A_595 : memref<1x96x64xf32, #tpu.memory_space<vmem>> -> memref<96x64xf32, #tpu.memory_space<vmem>>
    %dma_wait3A_597 = arith.constant 104 : i32
    %dma_wait3A_598 = tpu.memref_slice %arg6[%dma_wait3A_591, %dma_wait3A_597] : memref<4x200xi32, #tpu.memory_space<vmem>> -> memref<1x96xi32, #tpu.memory_space<vmem>>
    %dma_wait3A_599 = tpu.memref_squeeze %dma_wait3A_598 : memref<1x96xi32, #tpu.memory_space<vmem>> -> memref<96xi32, #tpu.memory_space<vmem>>
    %dma_wait3A_600 = arith.constant 0 : i32
    %dma_wait3A_601 = arith.constant 0 : i32
    %dma_wait3A_602 = tpu.memref_slice %arg5[%dma_wait3A_600, %dma_wait3A_601] : memref<1000x64xf32, #tpu.memory_space<vmem_shared>> -> memref<1000x64xf32, #tpu.memory_space<vmem_shared>>
    tpu.wait_indirect_dma semaphore(%arg11 : memref<!tpu.dma_semaphore, #tpu.memory_space<semaphore_mem>>) src(%dma_wait3A_602 : memref<1000x64xf32, #tpu.memory_space<vmem_shared>>) dst(%dma_wait3A_596 : memref<96x64xf32, #tpu.memory_space<vmem>>)
    %dma_wait3A_603 = arith.constant 2 : i32
    %dma_wait3A_604 = arith.constant 2 : i32
    %dma_wait3A_605 = arith.constant 0 : i32
    %dma_wait3A_606 = arith.constant 0 : i32
    %dma_wait3A_607 = tpu.memref_slice %arg8[%dma_wait3A_604, %dma_wait3A_605, %dma_wait3A_606] : memref<4x200x64xf32, #tpu.memory_space<vmem>> -> memref<1x104x64xf32, #tpu.memory_space<vmem>>
    %dma_wait3A_608 = tpu.memref_squeeze %dma_wait3A_607 : memref<1x104x64xf32, #tpu.memory_space<vmem>> -> memref<104x64xf32, #tpu.memory_space<vmem>>
    %dma_wait3A_609 = arith.constant 0 : i32
    %dma_wait3A_610 = tpu.memref_slice %arg6[%dma_wait3A_603, %dma_wait3A_609] : memref<4x200xi32, #tpu.memory_space<vmem>> -> memref<1x104xi32, #tpu.memory_space<vmem>>
    %dma_wait3A_611 = tpu.memref_squeeze %dma_wait3A_610 : memref<1x104xi32, #tpu.memory_space<vmem>> -> memref<104xi32, #tpu.memory_space<vmem>>
    %dma_wait3A_612 = arith.constant 0 : i32
    %dma_wait3A_613 = arith.constant 0 : i32
    %dma_wait3A_614 = tpu.memref_slice %arg5[%dma_wait3A_612, %dma_wait3A_613] : memref<1000x64xf32, #tpu.memory_space<vmem_shared>> -> memref<1000x64xf32, #tpu.memory_space<vmem_shared>>
    tpu.wait_indirect_dma semaphore(%arg11 : memref<!tpu.dma_semaphore, #tpu.memory_space<semaphore_mem>>) src(%dma_wait3A_614 : memref<1000x64xf32, #tpu.memory_space<vmem_shared>>) dst(%dma_wait3A_608 : memref<104x64xf32, #tpu.memory_space<vmem>>)
    %dma_wait3A_615 = arith.constant 2 : i32
    %dma_wait3A_616 = arith.constant 2 : i32
    %dma_wait3A_617 = arith.constant 104 : i32
    %dma_wait3A_618 = arith.constant 0 : i32
    %dma_wait3A_619 = tpu.memref_slice %arg8[%dma_wait3A_616, %dma_wait3A_617, %dma_wait3A_618] : memref<4x200x64xf32, #tpu.memory_space<vmem>> -> memref<1x96x64xf32, #tpu.memory_space<vmem>>
    %dma_wait3A_620 = tpu.memref_squeeze %dma_wait3A_619 : memref<1x96x64xf32, #tpu.memory_space<vmem>> -> memref<96x64xf32, #tpu.memory_space<vmem>>
    %dma_wait3A_621 = arith.constant 104 : i32
    %dma_wait3A_622 = tpu.memref_slice %arg6[%dma_wait3A_615, %dma_wait3A_621] : memref<4x200xi32, #tpu.memory_space<vmem>> -> memref<1x96xi32, #tpu.memory_space<vmem>>
    %dma_wait3A_623 = tpu.memref_squeeze %dma_wait3A_622 : memref<1x96xi32, #tpu.memory_space<vmem>> -> memref<96xi32, #tpu.memory_space<vmem>>
    %dma_wait3A_624 = arith.constant 0 : i32
    %dma_wait3A_625 = arith.constant 0 : i32
    %dma_wait3A_626 = tpu.memref_slice %arg5[%dma_wait3A_624, %dma_wait3A_625] : memref<1000x64xf32, #tpu.memory_space<vmem_shared>> -> memref<1000x64xf32, #tpu.memory_space<vmem_shared>>
    tpu.wait_indirect_dma semaphore(%arg11 : memref<!tpu.dma_semaphore, #tpu.memory_space<semaphore_mem>>) src(%dma_wait3A_626 : memref<1000x64xf32, #tpu.memory_space<vmem_shared>>) dst(%dma_wait3A_620 : memref<96x64xf32, #tpu.memory_space<vmem>>)
    %dma_wait3A_627 = arith.constant 3 : i32
    %dma_wait3A_628 = arith.constant 3 : i32
    %dma_wait3A_629 = arith.constant 0 : i32
    %dma_wait3A_630 = arith.constant 0 : i32
    %dma_wait3A_631 = tpu.memref_slice %arg8[%dma_wait3A_628, %dma_wait3A_629, %dma_wait3A_630] : memref<4x200x64xf32, #tpu.memory_space<vmem>> -> memref<1x104x64xf32, #tpu.memory_space<vmem>>
    %dma_wait3A_632 = tpu.memref_squeeze %dma_wait3A_631 : memref<1x104x64xf32, #tpu.memory_space<vmem>> -> memref<104x64xf32, #tpu.memory_space<vmem>>
    %dma_wait3A_633 = arith.constant 0 : i32
    %dma_wait3A_634 = tpu.memref_slice %arg6[%dma_wait3A_627, %dma_wait3A_633] : memref<4x200xi32, #tpu.memory_space<vmem>> -> memref<1x104xi32, #tpu.memory_space<vmem>>
    %dma_wait3A_635 = tpu.memref_squeeze %dma_wait3A_634 : memref<1x104xi32, #tpu.memory_space<vmem>> -> memref<104xi32, #tpu.memory_space<vmem>>
    %dma_wait3A_636 = arith.constant 0 : i32
    %dma_wait3A_637 = arith.constant 0 : i32
    %dma_wait3A_638 = tpu.memref_slice %arg5[%dma_wait3A_636, %dma_wait3A_637] : memref<1000x64xf32, #tpu.memory_space<vmem_shared>> -> memref<1000x64xf32, #tpu.memory_space<vmem_shared>>
    tpu.wait_indirect_dma semaphore(%arg11 : memref<!tpu.dma_semaphore, #tpu.memory_space<semaphore_mem>>) src(%dma_wait3A_638 : memref<1000x64xf32, #tpu.memory_space<vmem_shared>>) dst(%dma_wait3A_632 : memref<104x64xf32, #tpu.memory_space<vmem>>)
    %dma_wait3A_639 = arith.constant 3 : i32
    %dma_wait3A_640 = arith.constant 3 : i32
    %dma_wait3A_641 = arith.constant 104 : i32
    %dma_wait3A_642 = arith.constant 0 : i32
    %dma_wait3A_643 = tpu.memref_slice %arg8[%dma_wait3A_640, %dma_wait3A_641, %dma_wait3A_642] : memref<4x200x64xf32, #tpu.memory_space<vmem>> -> memref<1x96x64xf32, #tpu.memory_space<vmem>>
    %dma_wait3A_644 = tpu.memref_squeeze %dma_wait3A_643 : memref<1x96x64xf32, #tpu.memory_space<vmem>> -> memref<96x64xf32, #tpu.memory_space<vmem>>
    %dma_wait3A_645 = arith.constant 104 : i32
    %dma_wait3A_646 = tpu.memref_slice %arg6[%dma_wait3A_639, %dma_wait3A_645] : memref<4x200xi32, #tpu.memory_space<vmem>> -> memref<1x96xi32, #tpu.memory_space<vmem>>
    %dma_wait3A_647 = tpu.memref_squeeze %dma_wait3A_646 : memref<1x96xi32, #tpu.memory_space<vmem>> -> memref<96xi32, #tpu.memory_space<vmem>>
    %dma_wait3A_648 = arith.constant 0 : i32
    %dma_wait3A_649 = arith.constant 0 : i32
    %dma_wait3A_650 = tpu.memref_slice %arg5[%dma_wait3A_648, %dma_wait3A_649] : memref<1000x64xf32, #tpu.memory_space<vmem_shared>> -> memref<1000x64xf32, #tpu.memory_space<vmem_shared>>
    tpu.wait_indirect_dma semaphore(%arg11 : memref<!tpu.dma_semaphore, #tpu.memory_space<semaphore_mem>>) src(%dma_wait3A_650 : memref<1000x64xf32, #tpu.memory_space<vmem_shared>>) dst(%dma_wait3A_644 : memref<96x64xf32, #tpu.memory_space<vmem>>)
    %dma_wait3A_651 = arith.constant 0 : i32
    %dma_wait3A_652 = tpu.memref_slice %arg3[%mul3A_2, %dma_wait3A_651] : memref<16384x200xi32, #tpu.memory_space<hbm>> -> memref<4x200xi32, #tpu.memory_space<hbm>>
    %dma_wait3A_653 = arith.constant 0 : i32
    %dma_wait3A_654 = tpu.memref_slice %arg3[%mul3A_2, %dma_wait3A_653] : memref<16384x200xi32, #tpu.memory_space<hbm>> -> memref<4x200xi32, #tpu.memory_space<hbm>>
    tpu.wait_dma2 semaphore(%arg10 : memref<!tpu.dma_semaphore, #tpu.memory_space<semaphore_mem>>) src(%dma_wait3A_654 : memref<4x200xi32, #tpu.memory_space<hbm>>) dst(%arg6 : memref<4x200xi32, #tpu.memory_space<vmem>>)
    %dma_wait3A_655 = arith.constant 0 : i32
    %dma_wait3A_656 = arith.constant 0 : i32
    %dma_wait3A_657 = tpu.memref_slice %arg4[%mul3A_2, %dma_wait3A_655, %dma_wait3A_656] : memref<16384x200x64xf32, #tpu.memory_space<hbm>> -> memref<4x200x64xf32, #tpu.memory_space<hbm>>
    %dma_wait3A_658 = arith.constant 0 : i32
    %dma_wait3A_659 = arith.constant 0 : i32
    %dma_wait3A_660 = tpu.memref_slice %arg4[%mul3A_2, %dma_wait3A_658, %dma_wait3A_659] : memref<16384x200x64xf32, #tpu.memory_space<hbm>> -> memref<4x200x64xf32, #tpu.memory_space<hbm>>
    tpu.wait_dma2 semaphore(%arg12 : memref<!tpu.dma_semaphore, #tpu.memory_space<semaphore_mem>>) src(%arg9 : memref<4x200x64xf32, #tpu.memory_space<vmem>>) dst(%dma_wait3A_660 : memref<4x200x64xf32, #tpu.memory_space<hbm>>)
    return
  }
}

</mosaic_0001>

<sc_bundles>
// kernel: kernel.3.cloned.1.call-start
scs
__scs_entry_jumppad:
0x0: {  	(pc) =	sbr.rel $0x88, $3  }
0x1: {  	(tag) =	ssettag $0x0;
	lr =	simm.s32 $0x1  }
0x2: {  	[smem:$0x3F9F] =	sst lr;
	_ =	strace $0xD0000000  }
0x3: {  	_ = 	snop  }
0x4: {  	_ = 	snop  }
0x5: {  	_ = 	snop  }
0x6: {  	_ = 	snop  }
0x7: {  	_ = 	snop  }
__scs_overlays_trampoline_lowered:
0x8: {  	[smem:$0x3FAE] =	sst s0  }
0x9: {  	[smem:$0x3FAF] =	sst s1  }
0xa: {  	[smem:$0x3FB0] =	sst s2  }
0xb: {  	[smem:$0x3FB1] =	sst s3  }
0xc: {  	[smem:$0x3FB2] =	sst s4  }
0xd: {  	[smem:$0x3FB3] =	sst s5  }
0xe: {  	[smem:$0x3FB4] =	sst s6  }
0xf: {  	[smem:$0x3FB5] =	sst s7  }
0x10: {  	[smem:$0x3FB6] =	sst s8  }
0x11: {  	[smem:$0x3FB7] =	sst s9;
	s0 =	simm.s32 @!p0 $0x0  }
0x12: {  	s1 =	sld [smem:$0x3F9D];
	s0 =	simm.s32 @p0 $0x1  }
0x13: {  	[smem:$0x3FB8] =	sst s0;
	s0 =	simm.s32 @!p1 $0x0  }
0x14: {  	s2 =	sld [smem:$0x3F9C];
	s0 =	simm.s32 @p1 $0x1  }
0x15: {  	[smem:$0x3FB9] =	sst s0;
	s0 =	simm.s32 @!p2 $0x0  }
0x16: {  	s3 =	sld [smem:$0x3FDB];
	s0 =	simm.s32 @p2 $0x1  }
0x17: {  	s4 =	simm.s32 $0x1BF5;
	[smem:$0x3FBB] =	sst s0  }
0x18: {  	s0 =	sld [smem:$0x3F9E];
	_ =	swait.ge [sflag:s4], $0x0  }
0x19: {  	s7 =	sld [smem:$0x3F9F]  }
0x1a: {  	s8 =	sadd.s32 $0xFFFFE003, lr  }
0x1b: {  	s9 =	sadd.s32 $0xFFFFFEF7, lr;
	s5 =	simm.s32 $0xFFFFFFFF;
	p2 =	slt.u32 s8, $0xFFFFF086  }
0x1c: {  	p1 =	slt.u32 s9, $0xF7A;
	s5 =	simm.s32 @!p2 $0x0  }
0x1d: {  	s5 =	simm.s32 @p1 $0x1;
	p0 =	seq.s32 s7, s2  }
0x1e: {  	s7 =	smul.u32 @!p0 $0xF7A, s2;
	p2 =	seq.s32 @!p0 s5, $0x0  }
0x1f: {  	s9 =	smul.u32 $0xF7A, s1;
	s8 =	simm.s32 @!p0 $0x1BF5;
	p2 =	por !p2, p0  }
0x20: {  	[sflag:s8] =	ssyncset.s32 @!p0 $0xFFFFF086;
	s6 =	sadd.s32 @!p0 s3, s7;
	s7 =	simm.s32 @!p0 $0x108  }
0x21: {  	s3 =	sadd.s32 s3, s9;
	s6 =	sadd.s32 @!p0 $0x88, s6;
	s7 =	simm.s32 @p2 $0x1082  }
0x22: {  	[simem:s7], [sflag:s8] =	dma.local @!p0 [hbm:s6], $0xF7A  }
0x23: {  	s9 =	sor.u32 $0xD0000000, s2;
	s6 =	simm.s32 $0x108;
	_ =	swait.ge @!p0 [sflag:s8], $0x0  }
0x24: {  	s3 =	sadd.s32 $0x88, s3;
	s6 =	simm.s32 @!p1 $0x1082;
	[sflag:s4] =	ssyncset.s32 $0xFFFFF086  }
0x25: {  	[simem:s6], [sflag:s4] =	dma.local [hbm:s3], $0xF7A  }
0x26: {  	[smem:$0x3F9F] =	sst s1;
	(tag) =	ssettag s2;
	_ =	strace s9  }
0x27: {  	s1 =	sld [smem:$0x3FAF]  }
0x28: {  	s2 =	sld [smem:$0x3FB0]  }
0x29: {  	s4 =	sld [smem:$0x3FB2]  }
0x2a: {  	p0 =	seq.s32 s5, $0x0;
	s5 =	sld [smem:$0x3FB3]  }
0x2b: {  	s6 =	sld [smem:$0x3FB4]  }
0x2c: {  	s7 =	sld [smem:$0x3FB5]  }
0x2d: {  	s3 =	simm.s32 $0x108;
	s8 =	sld [smem:$0x3FB6]  }
0x2e: {  	s3 =	simm.s32 @!p0 $0x1082;
	s9 =	sld [smem:$0x3FB7]  }
0x2f: {  	lr =	sadd.s32 s0, s3;
	s0 =	sld [smem:$0x3FAE]  }
0x30: {  	s3 =	sld [smem:$0x3FB1]  }
0x31: {  	[smem:$0x3FBA] =	sst s10  }
0x32: {  	s10 =	sld [smem:$0x3FB8];
	_ =	sdelay $0x3  }
0x33: {  	p0 =	seq.s32 s10, $0x1;
	s10 =	sld [smem:$0x3FBA];
	_ =	sdelay $0x3  }
0x34: {  	[smem:$0x3FBA] =	sst s10  }
0x35: {  	s10 =	sld [smem:$0x3FB9];
	_ =	sdelay $0x3  }
0x36: {  	p1 =	seq.s32 s10, $0x1;
	s10 =	sld [smem:$0x3FBA];
	_ =	sdelay $0x3  }
0x37: {  	[smem:$0x3FBA] =	sst s10  }
0x38: {  	s10 =	sld [smem:$0x3FBB]  }
0x39: {  	_ = 	snop;
	(pc) =	sbr.ind lr, $3  }
0x3a: {  	_ = 	snop  }
0x3b: {  	_ = 	snop  }
0x3c: {  	p2 =	seq.s32 s10, $0x1;
	s10 =	sld [smem:$0x3FBA]  }
0x3d: {  	_ =	shalt  }
0x3e: {  	_ =	shalt  }
0x3f: {  	_ =	shalt  }
0x40: {  	_ =	shalt  }
0x41: {  	_ =	shalt  }
0x42: {  	_ =	shalt  }
0x43: {  	_ =	shalt  }
0x44: {  	_ =	shalt  }
0x45: {  	_ =	shalt  }
0x46: {  	_ =	shalt  }
0x47: {  	_ =	shalt  }
0x48: {  	_ =	shalt  }
0x49: {  	_ =	shalt  }
0x4a: {  	_ =	shalt  }
0x4b: {  	_ =	shalt  }
0x4c: {  	_ =	shalt  }
0x4d: {  	_ =	shalt  }
0x4e: {  	_ =	shalt  }
0x4f: {  	_ =	shalt  }
0x50: {  	_ =	shalt  }
0x51: {  	_ =	shalt  }
0x52: {  	_ =	shalt  }
0x53: {  	_ =	shalt  }
0x54: {  	_ =	shalt  }
0x55: {  	_ =	shalt  }
0x56: {  	_ =	shalt  }
0x57: {  	_ =	shalt  }
0x58: {  	_ =	shalt  }
0x59: {  	_ =	shalt  }
0x5a: {  	_ =	shalt  }
0x5b: {  	_ =	shalt  }
0x5c: {  	_ =	shalt  }
0x5d: {  	_ =	shalt  }
0x5e: {  	_ =	shalt  }
0x5f: {  	_ =	shalt  }
0x60: {  	_ =	shalt  }
0x61: {  	_ =	shalt  }
0x62: {  	_ =	shalt  }
0x63: {  	_ =	shalt  }
0x64: {  	_ =	shalt  }
0x65: {  	_ =	shalt  }
0x66: {  	_ =	shalt  }
0x67: {  	_ =	shalt  }
0x68: {  	_ =	shalt  }
0x69: {  	_ =	shalt  }
0x6a: {  	_ =	shalt  }
0x6b: {  	_ =	shalt  }
0x6c: {  	_ =	shalt  }
0x6d: {  	_ =	shalt  }
0x6e: {  	_ =	shalt  }
0x6f: {  	_ =	shalt  }
0x70: {  	_ =	shalt  }
0x71: {  	_ =	shalt  }
0x72: {  	_ =	shalt  }
0x73: {  	_ =	shalt  }
0x74: {  	_ =	shalt  }
0x75: {  	_ =	shalt  }
0x76: {  	_ =	shalt  }
0x77: {  	_ =	shalt  }
0x78: {  	_ =	shalt  }
0x79: {  	_ =	shalt  }
0x7a: {  	_ =	shalt  }
0x7b: {  	_ =	shalt  }
0x7c: {  	_ =	shalt  }
0x7d: {  	_ =	shalt  }
0x7e: {  	_ =	shalt  }
0x7f: {  	_ =	shalt  }
0x80: {  	_ =	shalt  }
0x81: {  	_ =	shalt  }
0x82: {  	_ =	shalt  }
0x83: {  	_ =	shalt  }
0x84: {  	_ =	shalt  }
0x85: {  	_ =	shalt  }
0x86: {  	_ =	shalt  }
0x87: {  	_ =	shalt  }
.Lfunc_end0:
.L_simem_size_0:
called_computation.1_lowered:
.L_overlay_start_0:
0x88: {  	s2 =	sld [smem:$0x3FD9]  }
0x89: {  	s3 =	sld [smem:$0x3FFE];
	_ =	sdelay $0x1  }
0x8a: {  	s1 =	srdreg.scid  }
0x8b: {  	s0 =	sand.u32 $0x1, s1  }
0x8c: {  	s17 =	sshll.u32 s0, $0xA;
	s2 =	sadd.s32 s3, s2  }
0x8d: {  	s2 =	sadd.s32 s2, s17  }
0x8e: {  	[smem:$0x3FC6] =	sst s2  }
0x8f: {  	_ = 	snop  }
0x90: {  	s2 =	sld [smem:$0x3FD0];
	(tm) =	ssettm $0x1  }
0x91: {  	s18 =	sld [smem:$0x3FFB];
	_ =	sdelay $0x3  }
0x92: {  	_ =	strace s18  }
0x93: {  	s3 =	sld [smem:$0x3FFC];
	_ =	sdelay $0x3  }
0x94: {  	_ =	strace s3  }
0x95: {  	s3 =	sld [smem:$0x3FFD];
	_ =	sdelay $0x3  }
0x96: {  	_ =	strace s3  }
0x97: {  	_ =	strace $0x8FFFFFFF  }
0x98: {  	s19 =	sld [smem:$0x3FDB];
	_ =	sdelay $0x1  }
0x99: {  	s4 =	simm.s32 $_scs_section_size  }
0x9a: {  	s5 =	simm.s32 $_size__tile_overlayer_lowered;
	s6 =	simm.s32 $_tile_overlayer_lowered  }
0x9b: {  	s22 =	simm.s32 $0x1BFF;
	s21 =	sshll.u32 s6, $0x1;
	s3 =	sadd.s32 s4, s19  }
0x9c: {  	s7 =	simm.s32 $0x0;
	s20 =	sshll.u32 s5, $0x1;
	s5 =	sadd.s32 s21, s3  }
0x9d: {  	[timem:s7], [sflag:s22] =	dma.local [hbm:s5], s20  }
0x9e: {  	_ =	swait.ge [sflag:s22], s20  }
0x9f: {  	s4 =	ssub.s32 $0x0, s20;
	[sflag:s22] =	ssyncset.done $0x0  }
0xa0: {  	[sflag:s22] =	ssyncadd.s32 s4;
	_ =	sdelay $0x1  }
0xa1: {  	s23 =	simm.s32 $0x1B8B  }
0xa2: {  	_ =	swait.ge [sflag:s23], $0x1  }
0xa3: {  	[sflag:s23] =	ssyncset.done $0x0  }
0xa4: {  	s25 =	simm.s32 $0x1B8E;
	s24 =	sld [smem:$0x3FFE];
	[sflag:s23] =	ssyncadd.s32 $0xFFFFFFFF  }
0xa5: {  	s26 =	simm.s32 $execute0_lowered;
	[smem:$0x3FD2] =	sst s25  }
0xa6: {  	s5 =	sshll.u32 s26, $0x1;
	_ =	strace $0x80000046;
	[dreg:$0x1] =	wrdreg $0xFFFFFFFF  }
0xa7: {  	s28 =	simm.s32 $_size_execute0_lowered;
	s3 =	sadd.s32 s3, s5;
	[dreg:$0x0] =	wrdreg $0x0  }
0xa8: {  	s5 =	sshll.u32 s28, $0x1;
	[dreg:$0x2] =	wrdreg s3  }
0xa9: {  	[dreg:$0x3] =	wrdreg s5  }
0xaa: {  	[dreg:$0x4] =	wrdreg $0xC0  }
0xab: {  	_ =	task [dreg:s7], $0x5FFFF  }
0xac: {  	[dreg:$0x1] =	wrdreg $0xFFFFFFFF  }
0xad: {  	[dreg:$0x0] =	wrdreg $0x60  }
0xae: {  	[dreg:$0x2] =	wrdreg s24  }
0xaf: {  	[dreg:$0x3] =	wrdreg s2  }
0xb0: {  	[dreg:$0x4] =	wrdreg $0x0  }
0xb1: {  	[dreg:$0x5] =	wrdreg $0x9  }
0xb2: {  	_ =	task.clear_ibuf [dreg:s7], $0x6FFFF;
	_ =	strace $0x90000046  }
0xb3: {  	s29 =	simm.s32 $0x9;
	_ =	strace $0x80000048  }
0xb4: {  	_ =	swait.ge [sflag:s29], $0x1  }
0xb5: {  	[sflag:s29] =	ssyncadd.s32 $0xFFFFFFFF  }
0xb6: {  	_ =	strace $0x90000048  }
0xb7: {  	_ =	sfence  }
0xb8: {  	s30 =	sld [smem:$0x0];
	_ =	sdelay $0x2  }
0xb9: {  	s31 =	sshll.u32 s1, $0xD;
	s1 =	sshrl.u32 s1, $0x2  }
0xba: {  	s3 =	sand.u32 $0x4000, s31;
	s1 =	sadd.s32 s1, s30  }
0xbb: {  	s0 =	sor.u32 s3, s0;
	s1 =	sshll.u32 s1, $0x11  }
0xbc: {  	s0 =	sor.u32 s1, s0  }
0xbd: {  	s0 =	sadd.s32 $0x8F2B, s0  }
0xbe: {  	[sflag:s0] =	ssyncadd.remote.s32 $0x1  }
0xbf: {  	_ =	sfence.sel $0xFFFF  }
0xc0: {  	[dreg:$0x0] =	wrdreg $0xFFFFFFFF;
	(pc) =	sbr.abs _section_cstart, $3  }
0xc1: {  	[dreg:$0x1] =	wrdreg $0xFFFFFFFF  }
0xc2: {  	_ =	task.clear_ibuf [dreg:s7], $0x2FFFF;
	_ =	strace $0x9FFFFFFF  }
0xc3: {  	(tm) =	ssettm $0x7FFFFFFF  }
tec
execute0_lowered:
.L_overlay_start_1:
0x0: {  	(tag) =	ssettag $0x1  }
0x1: {  	s0 =	rddreg [dreg:$0x0]  }
0x2: {  	s3 =	rddreg [dreg:$0x1]  }
0x3: {  	s1 =	rddreg [dreg:$0x2];
	s2 =	srdreg.scid  }
0x4: {  	s5 =	stileid.u32;
	s15 =	simm.s32 $0xFA0;
	s14 =	simm.s32 $0x10FE0  }
0x5: {  	s28 =	simm.s32 $0x173E0;
	s29 =	simm.s32 $0x3;
	s6 =	sand.u32 $0x1, s2  }
0x6: {  	s2 =	simm.s32 $0x0;
	s4 =	sshll.u32 s5, $0xA;
	s21 =	smul.u32 $0x190000, s5  }
0x7: {  	s17 =	sadd.s32 $0x800, s0;
	s24 =	smul.u32 $0x6400, s5;
	p0 =	sne.s32 s5, $0x0  }
0x8: {  	s5 =	simm.s32 $0x1328;
	s7 =	sshll.u32 s6, $0x9;
	s23 =	smul.u32 $0xC8000, s6  }
0x9: {  	[smem:$0x7FF] =	sst s2;
	s18 =	ssub.s32 $0x2, s6;
	s6 =	smul.u32 $0x3200, s6  }
0xa: {  	s7 =	sor.u32 s7, s4;
	_ =	strace $0x80000047;
	[dreg:$0x5] =	wrdreg s17  }
0xb: {  	s4 =	sadd.s32 $0x2800, s0;
	s12 =	sshrl.u32 s18, $0x1;
	s26 =	sadd.s32 s21, s3  }
0xc: {  	s17 =	simm.s32 $0x68;
	s21 =	simm.s32 $0x129E0;
	s8 =	smul.u32 $0x19, s7  }
0xd: {  	s9 =	smul.u32 $0x640, s7;
	s10 =	sor.u32 $0x1FC, s7;
	s0 =	ssub.s32 s18, s12  }
0xe: {  	s7 =	sor.u32 $0x10, s7;
	s30 =	sadd.s32 s24, s4;
	s11 =	smul.u32 $0x19, s10  }
0xf: {  	s18 =	simm.s32 $0x15E0;
	s24 =	simm.s32 $0x14B8;
	s19 =	smul.u32 $0x640, s10  }
0x10: {  	[dreg:$0x4] =	wrdreg s7;
	s0 =	smax.u32 s0, $0x1;
	s7 =	simm.s32 $0x12C0  }
0x11: {  	s10 =	simm.s32 $0xDDE0;
	s13 =	sadd.s32 s4, s8;
	[dreg:$0xc] =	wrdreg s0  }
0x12: {  	s9 =	sadd.s32 s3, s9;
	s0 =	sadd.s32 s23, s26;
	[dreg:$0x6] =	wrdreg s13  }
0x13: {  	s23 =	simm.s32 $0x141E0;
	s20 =	sadd.s32 $0x64, s13;
	[dreg:$0x9] =	wrdreg s9  }
0x14: {  	s26 =	simm.s32 $0x1518;
	s22 =	sadd.s32 $0xC8, s13;
	[dreg:$0x7] =	wrdreg s20  }
0x15: {  	s25 =	sadd.s32 s4, s11;
	s8 =	sadd.s32 s3, s19;
	[dreg:$0x8] =	wrdreg s22  }
0x16: {  	s3 =	sadd.s32 s6, s30;
	s0 =	sadd.s32 $0x3200, s0;
	[dreg:$0xa] =	wrdreg s25  }
0x17: {  	s19 =	simm.s32 $0x60;
	s9 =	simm.s32 $0x1;
	[dreg:$0xb] =	wrdreg s8  }
0x18: {  	s11 =	simm.s32 $0xF7E0;
	s13 =	simm.s32 $0x1388;
	[dreg:$0xd] =	wrdreg s0  }
0x19: {  	s31 =	sadd.s32 $0x12C, s3;
	s0 =	sshrl.u32 @!p0 s1, $0x3;
	s8 =	simm.s32 $0x2  }
0x1a: {  	s20 =	simm.s32 $0x13F0;
	s22 =	simm.s32 $0x1450;
	[dreg:$0xe] =	wrdreg s31  }
0x1b: {  	s25 =	simm.s32 $0x15BE0;
	s3 =	simm.s32 $0x0;
	[dreg:$0xf] =	wrdreg s0  }
.LBB2_1:
0x1c: {  	[dreg:$0x10] =	wrdreg s3  }
0x1d: {  	s3 =	rddreg [dreg:$0x5]  }
0x1e: {  	s0 =	simm.s32 @!p0 $0x1C04;
	s6 =	rddreg [dreg:$0xf]  }
0x1f: {  	[spmem:s6], [sflag:s0] =	dma.local @!p0 [hbm:s3], $0x1F40  }
0x20: {  	s0 =	simm.s32 @!p0 $0x4  }
0x21: {  	_ =	swait.ge @!p0 [sflag:s0], $0x1F40  }
0x22: {  	[sflag:s0] =	ssyncset.done @!p0 $0x0  }
0x23: {  	[sflag:s0] =	ssyncadd.s32 @!p0 $0xFFFFE0C0  }
0x24: {  	[bflag:$0x0] =	sbarrier.arrive $0xFFFF  }
0x25: {  	s3 =	simm.s32 $0x4;
	s16 =	rddreg [dreg:$0x6]  }
0x26: {  	[tilespmem:s15], [sflag:$0x4] =	stream.linear.gather [hbm4b:s16+s2], $0x320, $0x38;
	[tilespmem:$0x1A5E0] =	vst v63  }
0x27: {  	_ =	swait.ge [sflag:s3], $0x320  }
0x28: {  	[sflag:s3] =	ssyncset.done $0x0  }
0x29: {  	[sflag:s3] =	ssyncadd.s32 $0xFFFFFCE0  }
0x2a: {  	[tilespmem:s18], [sflag:$0x2] =	stream.indirect.gather [spmem:s1], $0x40, s15, s17, $0xb8;
	[tilespmem:$0x1A5E0] =	vst v63  }
0x2b: {  	s30 =	simm.s32 $0x2FE0;
	s16 =	simm.s32 $0x1008  }
0x2c: {  	[tilespmem:s30], [sflag:$0x2] =	stream.indirect.gather [spmem:s1], $0x40, s16, s19, $0xb8;
	[tilespmem:$0x1A5E0] =	vst v63  }
0x2d: {  	s12 =	simm.s32 $0x1068;
	s3 =	simm.s32 $0x47E0  }
0x2e: {  	[tilespmem:s3], [sflag:$0x2] =	stream.indirect.gather [spmem:s1], $0x40, s12, s17, $0xb8;
	[tilespmem:$0x1A5E0] =	vst v63  }
0x2f: {  	s31 =	simm.s32 $0x61E0;
	s6 =	simm.s32 $0x10D0  }
0x30: {  	[tilespmem:s31], [sflag:$0x2] =	stream.indirect.gather [spmem:s1], $0x40, s6, s19, $0xb8;
	[tilespmem:$0x1A5E0] =	vst v63  }
0x31: {  	s0 =	simm.s32 $0x1130;
	s6 =	simm.s32 $0x79E0  }
0x32: {  	[tilespmem:s6], [sflag:$0x2] =	stream.indirect.gather [spmem:s1], $0x40, s0, s17, $0xb8;
	[tilespmem:$0x1A5E0] =	vst v63  }
0x33: {  	s0 =	simm.s32 $0x1198;
	s6 =	simm.s32 $0x93E0  }
0x34: {  	[tilespmem:s6], [sflag:$0x2] =	stream.indirect.gather [spmem:s1], $0x40, s0, s19, $0xb8;
	[tilespmem:$0x1A5E0] =	vst v63  }
0x35: {  	s0 =	simm.s32 $0x11F8;
	s6 =	simm.s32 $0xABE0  }
0x36: {  	[tilespmem:s6], [sflag:$0x2] =	stream.indirect.gather [spmem:s1], $0x40, s0, s17, $0xb8;
	[tilespmem:$0x1A5E0] =	vst v63  }
0x37: {  	s0 =	simm.s32 $0x1260;
	s6 =	simm.s32 $0xC5E0  }
0x38: {  	[tilespmem:s6], [sflag:$0x2] =	stream.indirect.gather [spmem:s1], $0x40, s0, s19, $0xb8;
	[tilespmem:$0x1A5E0] =	vst v63  }
0x39: {  	s6 =	rddreg [dreg:$0x7]  }
0x3a: {  	[tilespmem:s7], [sflag:$0x1] =	stream.linear.gather [hbm4b:s6+s2], $0x320, $0x38;
	[tilespmem:$0x1A5E0] =	vst v63  }
0x3b: {  	_ =	swait.ge [sflag:s8], $0x1A00  }
0x3c: {  	[sflag:s8] =	ssyncset.done $0x0  }
0x3d: {  	[sflag:s8] =	ssyncadd.s32 $0xFFFFE600  }
0x3e: {  	_ =	swait.ge [sflag:s8], $0x1800  }
0x3f: {  	[sflag:s8] =	ssyncset.done $0x0  }
0x40: {  	[sflag:s8] =	ssyncadd.s32 $0xFFFFE800  }
0x41: {  	_ =	swait.ge [sflag:s8], $0x1A00  }
0x42: {  	[sflag:s8] =	ssyncset.done $0x0  }
0x43: {  	[sflag:s8] =	ssyncadd.s32 $0xFFFFE600  }
0x44: {  	_ =	swait.ge [sflag:s8], $0x1800  }
0x45: {  	[sflag:s8] =	ssyncset.done $0x0  }
0x46: {  	[sflag:s8] =	ssyncadd.s32 $0xFFFFE800  }
0x47: {  	_ =	swait.ge [sflag:s8], $0x1A00  }
0x48: {  	[sflag:s8] =	ssyncset.done $0x0  }
0x49: {  	[sflag:s8] =	ssyncadd.s32 $0xFFFFE600  }
0x4a: {  	_ =	swait.ge [sflag:s8], $0x1800  }
0x4b: {  	[sflag:s8] =	ssyncset.done $0x0  }
0x4c: {  	[sflag:s8] =	ssyncadd.s32 $0xFFFFE800  }
0x4d: {  	_ =	swait.ge [sflag:s8], $0x1A00  }
0x4e: {  	[sflag:s8] =	ssyncset.done $0x0  }
0x4f: {  	[sflag:s8] =	ssyncadd.s32 $0xFFFFE600  }
0x50: {  	_ =	swait.ge [sflag:s8], $0x1800  }
0x51: {  	[sflag:s8] =	ssyncset.done $0x0  }
0x52: {  	s6 =	rddreg [dreg:$0x8];
	[sflag:s8] =	ssyncadd.s32 $0xFFFFE800  }
0x53: {  	[tilespmem:s15], [sflag:$0x1] =	stream.linear.gather [hbm4b:s6+s2], $0x320, $0x38;
	[tilespmem:$0x1A5E0] =	vst v63  }
0x54: {  	s6 =	rddreg [dreg:$0x9]  }
0x55: {  	[hbm4b:s6+s2] =	stream.linear.scatter [tilespmem:s18], [sflag:$0x3], $0xC800, $0x38;
	[tilespmem:$0x1A5E0] =	vst v63  }
0x56: {  	_ =	swait.ge [sflag:s9], $0x320  }
0x57: {  	[sflag:s9] =	ssyncset.done $0x0  }
0x58: {  	[sflag:s9] =	ssyncadd.s32 $0xFFFFFCE0  }
0x59: {  	[tilespmem:s10], [sflag:$0x2] =	stream.indirect.gather [spmem:s1], $0x40, s7, s17, $0xb8;
	[tilespmem:$0x1A5E0] =	vst v63  }
0x5a: {  	_ = 	snop  }
0x5b: {  	[tilespmem:s11], [sflag:$0x2] =	stream.indirect.gather [spmem:s1], $0x40, s5, s19, $0xb8;
	[tilespmem:$0x1A5E0] =	vst v63  }
0x5c: {  	_ = 	snop  }
0x5d: {  	[tilespmem:s14], [sflag:$0x2] =	stream.indirect.gather [spmem:s1], $0x40, s13, s17, $0xb8;
	[tilespmem:$0x1A5E0] =	vst v63  }
0x5e: {  	_ = 	snop  }
0x5f: {  	[tilespmem:s21], [sflag:$0x2] =	stream.indirect.gather [spmem:s1], $0x40, s20, s19, $0xb8;
	[tilespmem:$0x1A5E0] =	vst v63  }
0x60: {  	_ = 	snop  }
0x61: {  	[tilespmem:s23], [sflag:$0x2] =	stream.indirect.gather [spmem:s1], $0x40, s22, s17, $0xb8;
	[tilespmem:$0x1A5E0] =	vst v63  }
0x62: {  	_ = 	snop  }
0x63: {  	[tilespmem:s25], [sflag:$0x2] =	stream.indirect.gather [spmem:s1], $0x40, s24, s19, $0xb8;
	[tilespmem:$0x1A5E0] =	vst v63  }
0x64: {  	_ = 	snop  }
0x65: {  	[tilespmem:s28], [sflag:$0x2] =	stream.indirect.gather [spmem:s1], $0x40, s26, s17, $0xb8;
	[tilespmem:$0x1A5E0] =	vst v63  }
0x66: {  	s22 =	simm.s32 $0x1580;
	s23 =	simm.s32 $0x18DE0  }
0x67: {  	[tilespmem:s23], [sflag:$0x2] =	stream.indirect.gather [spmem:s1], $0x40, s22, s19, $0xb8;
	[tilespmem:$0x1A5E0] =	vst v63  }
0x68: {  	_ =	swait.ge [sflag:s8], $0x1A00  }
0x69: {  	[sflag:s8] =	ssyncset.done $0x0  }
0x6a: {  	[sflag:s8] =	ssyncadd.s32 $0xFFFFE600  }
0x6b: {  	_ =	swait.ge [sflag:s8], $0x1800  }
0x6c: {  	[sflag:s8] =	ssyncset.done $0x0  }
0x6d: {  	[sflag:s8] =	ssyncadd.s32 $0xFFFFE800  }
0x6e: {  	_ =	swait.ge [sflag:s8], $0x1A00  }
0x6f: {  	[sflag:s8] =	ssyncset.done $0x0  }
0x70: {  	[sflag:s8] =	ssyncadd.s32 $0xFFFFE600  }
0x71: {  	_ =	swait.ge [sflag:s8], $0x1800  }
0x72: {  	[sflag:s8] =	ssyncset.done $0x0  }
0x73: {  	[sflag:s8] =	ssyncadd.s32 $0xFFFFE800  }
0x74: {  	_ =	swait.ge [sflag:s8], $0x1A00  }
0x75: {  	[sflag:s8] =	ssyncset.done $0x0  }
0x76: {  	[sflag:s8] =	ssyncadd.s32 $0xFFFFE600  }
0x77: {  	_ =	swait.ge [sflag:s8], $0x1800  }
0x78: {  	[sflag:s8] =	ssyncset.done $0x0  }
0x79: {  	[sflag:s8] =	ssyncadd.s32 $0xFFFFE800  }
0x7a: {  	_ =	swait.ge [sflag:s8], $0x1A00  }
0x7b: {  	[sflag:s8] =	ssyncset.done $0x0  }
0x7c: {  	[sflag:s8] =	ssyncadd.s32 $0xFFFFE600  }
0x7d: {  	_ =	swait.ge [sflag:s8], $0x1800  }
0x7e: {  	[sflag:s8] =	ssyncset.done $0x0;
	s14 =	rddreg [dreg:$0xe]  }
0x7f: {  	s6 =	rddreg [dreg:$0xd];
	[sflag:s8] =	ssyncadd.s32 $0xFFFFE800  }
0x80: {  	[tilespmem:s7], [sflag:$0x1] =	stream.linear.gather [hbm4b:s14+s2], $0x320, $0x38;
	[tilespmem:$0x1A5E0] =	vst v63  }
0x81: {  	s24 =	sadd.s32 $0xFFFFE700, s6  }
0x82: {  	[hbm4b:s24+s2] =	stream.linear.scatter [tilespmem:s10], [sflag:$0x3], $0xC800, $0x38;
	[tilespmem:$0x1A5E0] =	vst v63  }
0x83: {  	_ =	swait.ge [sflag:s29], $0xC800  }
0x84: {  	[sflag:s29] =	ssyncset.done $0x0  }
0x85: {  	[sflag:s29] =	ssyncadd.s32 $0xFFFF3800  }
0x86: {  	_ =	swait.ge [sflag:s9], $0x320  }
0x87: {  	[sflag:s9] =	ssyncset.done $0x0  }
0x88: {  	[sflag:s9] =	ssyncadd.s32 $0xFFFFFCE0  }
0x89: {  	[tilespmem:s18], [sflag:$0x2] =	stream.indirect.gather [spmem:s1], $0x40, s15, s17, $0xb8;
	[tilespmem:$0x1A5E0] =	vst v63  }
0x8a: {  	_ = 	snop  }
0x8b: {  	[tilespmem:s30], [sflag:$0x2] =	stream.indirect.gather [spmem:s1], $0x40, s16, s19, $0xb8;
	[tilespmem:$0x1A5E0] =	vst v63  }
0x8c: {  	_ = 	snop  }
0x8d: {  	[tilespmem:s3], [sflag:$0x2] =	stream.indirect.gather [spmem:s1], $0x40, s12, s17, $0xb8;
	[tilespmem:$0x1A5E0] =	vst v63  }
0x8e: {  	s25 =	simm.s32 $0x10D0  }
0x8f: {  	[tilespmem:s31], [sflag:$0x2] =	stream.indirect.gather [spmem:s1], $0x40, s25, s19, $0xb8;
	[tilespmem:$0x1A5E0] =	vst v63  }
0x90: {  	s3 =	simm.s32 $0x1130;
	s12 =	simm.s32 $0x79E0  }
0x91: {  	[tilespmem:s12], [sflag:$0x2] =	stream.indirect.gather [spmem:s1], $0x40, s3, s17, $0xb8;
	[tilespmem:$0x1A5E0] =	vst v63  }
0x92: {  	s21 =	simm.s32 $0x1198;
	s25 =	simm.s32 $0x93E0  }
0x93: {  	[tilespmem:s25], [sflag:$0x2] =	stream.indirect.gather [spmem:s1], $0x40, s21, s19, $0xb8;
	[tilespmem:$0x1A5E0] =	vst v63  }
0x94: {  	s3 =	simm.s32 $0x11F8;
	s25 =	simm.s32 $0xABE0  }
0x95: {  	[tilespmem:s25], [sflag:$0x2] =	stream.indirect.gather [spmem:s1], $0x40, s3, s17, $0xb8;
	[tilespmem:$0x1A5E0] =	vst v63  }
0x96: {  	s0 =	simm.s32 $0x1260;
	s3 =	simm.s32 $0xC5E0  }
0x97: {  	[tilespmem:s3], [sflag:$0x2] =	stream.indirect.gather [spmem:s1], $0x40, s0, s19, $0xb8;
	[tilespmem:$0x1A5E0] =	vst v63  }
0x98: {  	_ =	swait.ge [sflag:s8], $0x1A00  }
0x99: {  	[sflag:s8] =	ssyncset.done $0x0  }
0x9a: {  	[sflag:s8] =	ssyncadd.s32 $0xFFFFE600  }
0x9b: {  	_ =	swait.ge [sflag:s8], $0x1800  }
0x9c: {  	[sflag:s8] =	ssyncset.done $0x0  }
0x9d: {  	[sflag:s8] =	ssyncadd.s32 $0xFFFFE800  }
0x9e: {  	_ =	swait.ge [sflag:s8], $0x1A00  }
0x9f: {  	[sflag:s8] =	ssyncset.done $0x0  }
0xa0: {  	[sflag:s8] =	ssyncadd.s32 $0xFFFFE600  }
0xa1: {  	_ =	swait.ge [sflag:s8], $0x1800  }
0xa2: {  	[sflag:s8] =	ssyncset.done $0x0  }
0xa3: {  	[sflag:s8] =	ssyncadd.s32 $0xFFFFE800  }
0xa4: {  	_ =	swait.ge [sflag:s8], $0x1A00  }
0xa5: {  	[sflag:s8] =	ssyncset.done $0x0  }
0xa6: {  	[sflag:s8] =	ssyncadd.s32 $0xFFFFE600  }
0xa7: {  	_ =	swait.ge [sflag:s8], $0x1800  }
0xa8: {  	[sflag:s8] =	ssyncset.done $0x0  }
0xa9: {  	[sflag:s8] =	ssyncadd.s32 $0xFFFFE800  }
0xaa: {  	_ =	swait.ge [sflag:s8], $0x1A00  }
0xab: {  	[sflag:s8] =	ssyncset.done $0x0  }
0xac: {  	[sflag:s8] =	ssyncadd.s32 $0xFFFFE600  }
0xad: {  	s3 =	smin.u32 s2, $0x7B;
	_ =	swait.ge [sflag:s8], $0x1800  }
0xae: {  	s3 =	sshll.u32 s3, $0x2;
	s0 =	rddreg [dreg:$0x4]  }
0xaf: {  	s0 =	sadd.s32 s3, s0  }
0xb0: {  	s0 =	smul.u32 $0x19, s0  }
0xb1: {  	[sflag:s8] =	ssyncset.done $0x0  }
0xb2: {  	[sflag:s8] =	ssyncadd.s32 $0xFFFFE800;
	s0 =	sadd.s32 s4, s0  }
0xb3: {  	[tilespmem:s15], [sflag:$0x1] =	stream.linear.gather [hbm4b:s0+s2], $0x320, $0x38;
	[tilespmem:$0x1A5E0] =	vst v63  }
0xb4: {  	_ = 	snop  }
0xb5: {  	[hbm4b:s6+s2] =	stream.linear.scatter [tilespmem:s18], [sflag:$0x3], $0xC800, $0x38;
	[tilespmem:$0x1A5E0] =	vst v63  }
0xb6: {  	_ =	swait.ge [sflag:s29], $0xC800  }
0xb7: {  	[sflag:s29] =	ssyncset.done $0x0  }
0xb8: {  	[sflag:s29] =	ssyncadd.s32 $0xFFFF3800  }
0xb9: {  	_ =	swait.ge [sflag:s9], $0x320  }
0xba: {  	[sflag:s9] =	ssyncset.done $0x0  }
0xbb: {  	[sflag:s9] =	ssyncadd.s32 $0xFFFFFCE0  }
0xbc: {  	[tilespmem:s10], [sflag:$0x2] =	stream.indirect.gather [spmem:s1], $0x40, s7, s17, $0xb8;
	[tilespmem:$0x1A5E0] =	vst v63  }
0xbd: {  	s5 =	simm.s32 $0x1328;
	s11 =	simm.s32 $0xF7E0  }
0xbe: {  	[tilespmem:s11], [sflag:$0x2] =	stream.indirect.gather [spmem:s1], $0x40, s5, s19, $0xb8;
	[tilespmem:$0x1A5E0] =	vst v63  }
0xbf: {  	s13 =	simm.s32 $0x1388;
	s20 =	simm.s32 $0x10FE0  }
0xc0: {  	[tilespmem:s20], [sflag:$0x2] =	stream.indirect.gather [spmem:s1], $0x40, s13, s17, $0xb8;
	[tilespmem:$0x1A5E0] =	vst v63  }
0xc1: {  	s26 =	simm.s32 $0x1450;
	s22 =	simm.s32 $0x13F0;
	s24 =	simm.s32 $0x129E0  }
0xc2: {  	[tilespmem:s24], [sflag:$0x2] =	stream.indirect.gather [spmem:s1], $0x40, s22, s19, $0xb8;
	[tilespmem:$0x1A5E0] =	vst v63  }
0xc3: {  	s28 =	simm.s32 $0xC5E0;
	s23 =	simm.s32 $0x1518;
	s12 =	simm.s32 $0x141E0  }
0xc4: {  	[tilespmem:s12], [sflag:$0x2] =	stream.indirect.gather [spmem:s1], $0x40, s26, s17, $0xb8;
	[tilespmem:$0x1A5E0] =	vst v63  }
0xc5: {  	s16 =	simm.s32 $0x14B8;
	s30 =	simm.s32 $0x2;
	s21 =	simm.s32 $0x15BE0  }
0xc6: {  	[tilespmem:s21], [sflag:$0x2] =	stream.indirect.gather [spmem:s1], $0x40, s16, s19, $0xb8;
	[tilespmem:$0x1A5E0] =	vst v63  }
0xc7: {  	s31 =	sadd.s32 $0x3200, s6;
	s25 =	simm.s32 $0x173E0;
	s0 =	sadd.s32 $0xC8, s14  }
0xc8: {  	[tilespmem:s25], [sflag:$0x2] =	stream.indirect.gather [spmem:s1], $0x40, s23, s17, $0xb8;
	[tilespmem:$0x1A5E0] =	vst v63  }
.LBB2_2:
0xc9: {  	s3 =	simm.s32 $0x1580;
	s6 =	simm.s32 $0x18DE0  }
0xca: {  	[tilespmem:s6], [sflag:$0x2] =	stream.indirect.gather [spmem:s1], $0x40, s3, s19, $0xb8;
	[tilespmem:$0x1A5E0] =	vst v63  }
0xcb: {  	_ =	swait.ge [sflag:s8], $0x1A00  }
0xcc: {  	[sflag:s8] =	ssyncset.done $0x0  }
0xcd: {  	[sflag:s8] =	ssyncadd.s32 $0xFFFFE600  }
0xce: {  	_ =	swait.ge [sflag:s8], $0x1800  }
0xcf: {  	[sflag:s8] =	ssyncset.done $0x0  }
0xd0: {  	[sflag:s8] =	ssyncadd.s32 $0xFFFFE800  }
0xd1: {  	_ =	swait.ge [sflag:s8], $0x1A00  }
0xd2: {  	[sflag:s8] =	ssyncset.done $0x0  }
0xd3: {  	[sflag:s8] =	ssyncadd.s32 $0xFFFFE600  }
0xd4: {  	_ =	swait.ge [sflag:s8], $0x1800  }
0xd5: {  	[sflag:s8] =	ssyncset.done $0x0  }
0xd6: {  	[sflag:s8] =	ssyncadd.s32 $0xFFFFE800  }
0xd7: {  	_ =	swait.ge [sflag:s8], $0x1A00  }
0xd8: {  	[sflag:s8] =	ssyncset.done $0x0  }
0xd9: {  	[sflag:s8] =	ssyncadd.s32 $0xFFFFE600  }
0xda: {  	_ =	swait.ge [sflag:s8], $0x1800  }
0xdb: {  	[sflag:s8] =	ssyncset.done $0x0  }
0xdc: {  	[sflag:s8] =	ssyncadd.s32 $0xFFFFE800  }
0xdd: {  	_ =	swait.ge [sflag:s8], $0x1A00  }
0xde: {  	[sflag:s8] =	ssyncset.done $0x0  }
0xdf: {  	[sflag:s8] =	ssyncadd.s32 $0xFFFFE600  }
0xe0: {  	_ =	swait.ge [sflag:s8], $0x1800  }
0xe1: {  	[sflag:s8] =	ssyncset.done $0x0  }
0xe2: {  	[sflag:s8] =	ssyncadd.s32 $0xFFFFE800  }
0xe3: {  	[tilespmem:s7], [sflag:$0x1] =	stream.linear.gather [hbm4b:s0+s2], $0x320, $0x38;
	[tilespmem:$0x1A5E0] =	vst v63  }
0xe4: {  	s14 =	sadd.s32 $0xFFFFE700, s31  }
0xe5: {  	[hbm4b:s14+s2] =	stream.linear.scatter [tilespmem:s10], [sflag:$0x3], $0xC800, $0x38;
	[tilespmem:$0x1A5E0] =	vst v63  }
0xe6: {  	_ =	swait.ge [sflag:s29], $0xC800  }
0xe7: {  	[sflag:s29] =	ssyncset.done $0x0  }
0xe8: {  	[sflag:s29] =	ssyncadd.s32 $0xFFFF3800  }
0xe9: {  	_ =	swait.ge [sflag:s9], $0x320  }
0xea: {  	[sflag:s9] =	ssyncset.done $0x0  }
0xeb: {  	[sflag:s9] =	ssyncadd.s32 $0xFFFFFCE0  }
0xec: {  	[tilespmem:s18], [sflag:$0x2] =	stream.indirect.gather [spmem:s1], $0x40, s15, s17, $0xb8;
	[tilespmem:$0x1A5E0] =	vst v63  }
0xed: {  	s6 =	simm.s32 $0x1008;
	s14 =	simm.s32 $0x2FE0  }
0xee: {  	[tilespmem:s14], [sflag:$0x2] =	stream.indirect.gather [spmem:s1], $0x40, s6, s19, $0xb8;
	[tilespmem:$0x1A5E0] =	vst v63  }
0xef: {  	s6 =	simm.s32 $0x1068;
	s14 =	simm.s32 $0x47E0  }
0xf0: {  	[tilespmem:s14], [sflag:$0x2] =	stream.indirect.gather [spmem:s1], $0x40, s6, s17, $0xb8;
	[tilespmem:$0x1A5E0] =	vst v63  }
0xf1: {  	s6 =	simm.s32 $0x10D0;
	s14 =	simm.s32 $0x61E0  }
0xf2: {  	[tilespmem:s14], [sflag:$0x2] =	stream.indirect.gather [spmem:s1], $0x40, s6, s19, $0xb8;
	[tilespmem:$0x1A5E0] =	vst v63  }
0xf3: {  	s6 =	simm.s32 $0x1130;
	s14 =	simm.s32 $0x79E0  }
0xf4: {  	[tilespmem:s14], [sflag:$0x2] =	stream.indirect.gather [spmem:s1], $0x40, s6, s17, $0xb8;
	[tilespmem:$0x1A5E0] =	vst v63  }
0xf5: {  	s6 =	simm.s32 $0x1198;
	s14 =	simm.s32 $0x93E0  }
0xf6: {  	[tilespmem:s14], [sflag:$0x2] =	stream.indirect.gather [spmem:s1], $0x40, s6, s19, $0xb8;
	[tilespmem:$0x1A5E0] =	vst v63  }
0xf7: {  	s6 =	simm.s32 $0x11F8;
	s14 =	simm.s32 $0xABE0  }
0xf8: {  	[tilespmem:s14], [sflag:$0x2] =	stream.indirect.gather [spmem:s1], $0x40, s6, s17, $0xb8;
	[tilespmem:$0x1A5E0] =	vst v63  }
0xf9: {  	s14 =	simm.s32 $0x1260  }
0xfa: {  	[tilespmem:s28], [sflag:$0x2] =	stream.indirect.gather [spmem:s1], $0x40, s14, s19, $0xb8;
	[tilespmem:$0x1A5E0] =	vst v63  }
0xfb: {  	_ =	swait.ge [sflag:s8], $0x1A00  }
0xfc: {  	[sflag:s8] =	ssyncset.done $0x0  }
0xfd: {  	[sflag:s8] =	ssyncadd.s32 $0xFFFFE600  }
0xfe: {  	_ =	swait.ge [sflag:s8], $0x1800  }
0xff: {  	[sflag:s8] =	ssyncset.done $0x0  }
0x100: {  	[sflag:s8] =	ssyncadd.s32 $0xFFFFE800  }
0x101: {  	_ =	swait.ge [sflag:s8], $0x1A00  }
0x102: {  	[sflag:s8] =	ssyncset.done $0x0  }
0x103: {  	[sflag:s8] =	ssyncadd.s32 $0xFFFFE600  }
0x104: {  	_ =	swait.ge [sflag:s8], $0x1800  }
0x105: {  	[sflag:s8] =	ssyncset.done $0x0  }
0x106: {  	[sflag:s8] =	ssyncadd.s32 $0xFFFFE800  }
0x107: {  	_ =	swait.ge [sflag:s8], $0x1A00  }
0x108: {  	[sflag:s8] =	ssyncset.done $0x0  }
0x109: {  	[sflag:s8] =	ssyncadd.s32 $0xFFFFE600  }
0x10a: {  	_ =	swait.ge [sflag:s8], $0x1800  }
0x10b: {  	[sflag:s8] =	ssyncset.done $0x0  }
0x10c: {  	[sflag:s8] =	ssyncadd.s32 $0xFFFFE800  }
0x10d: {  	_ =	swait.ge [sflag:s8], $0x1A00  }
0x10e: {  	[sflag:s8] =	ssyncset.done $0x0  }
0x10f: {  	s3 =	smov.u32 s30;
	[sflag:s8] =	ssyncadd.s32 $0xFFFFE600  }
0x110: {  	s3 =	smin.u32 s3, $0x7B;
	_ =	swait.ge [sflag:s8], $0x1800  }
0x111: {  	s3 =	sshll.u32 s3, $0x2;
	s14 =	rddreg [dreg:$0x4]  }
0x112: {  	s3 =	sadd.s32 s3, s14  }
0x113: {  	s3 =	smul.u32 $0x19, s3  }
0x114: {  	[sflag:s8] =	ssyncset.done $0x0  }
0x115: {  	[sflag:s8] =	ssyncadd.s32 $0xFFFFE800;
	s3 =	sadd.s32 s4, s3  }
0x116: {  	[tilespmem:s15], [sflag:$0x1] =	stream.linear.gather [hbm4b:s3+s2], $0x320, $0x38;
	[tilespmem:$0x1A5E0] =	vst v63  }
0x117: {  	_ = 	snop  }
0x118: {  	[hbm4b:s31+s2] =	stream.linear.scatter [tilespmem:s18], [sflag:$0x3], $0xC800, $0x38;
	[tilespmem:$0x1A5E0] =	vst v63  }
0x119: {  	_ =	swait.ge [sflag:s29], $0xC800  }
0x11a: {  	[sflag:s29] =	ssyncset.done $0x0  }
0x11b: {  	[sflag:s29] =	ssyncadd.s32 $0xFFFF3800  }
0x11c: {  	_ =	swait.ge [sflag:s9], $0x320  }
0x11d: {  	[sflag:s9] =	ssyncset.done $0x0  }
0x11e: {  	[sflag:s9] =	ssyncadd.s32 $0xFFFFFCE0  }
0x11f: {  	[tilespmem:s10], [sflag:$0x2] =	stream.indirect.gather [spmem:s1], $0x40, s7, s17, $0xb8;
	[tilespmem:$0x1A5E0] =	vst v63  }
0x120: {  	_ = 	snop  }
0x121: {  	[tilespmem:s11], [sflag:$0x2] =	stream.indirect.gather [spmem:s1], $0x40, s5, s19, $0xb8;
	[tilespmem:$0x1A5E0] =	vst v63  }
0x122: {  	_ = 	snop  }
0x123: {  	[tilespmem:s20], [sflag:$0x2] =	stream.indirect.gather [spmem:s1], $0x40, s13, s17, $0xb8;
	[tilespmem:$0x1A5E0] =	vst v63  }
0x124: {  	_ = 	snop  }
0x125: {  	[tilespmem:s24], [sflag:$0x2] =	stream.indirect.gather [spmem:s1], $0x40, s22, s19, $0xb8;
	[tilespmem:$0x1A5E0] =	vst v63  }
0x126: {  	p1 =	sne.s32 s30, $0x7C  }
0x127: {  	[tilespmem:s12], [sflag:$0x2] =	stream.indirect.gather [spmem:s1], $0x40, s26, s17, $0xb8;
	[tilespmem:$0x1A5E0] =	vst v63  }
.Ltmp0:
0x128: {  	_ = 	snop;
	(pc) =	sbr.rel @p1 .LBB2_2-.Ltmp0, $4  }
0x129: {  	_ = 	snop  }
0x12a: {  	[tilespmem:s21], [sflag:$0x2] =	stream.indirect.gather [spmem:s1], $0x40, s16, s19, $0xb8;
	[tilespmem:$0x1A5E0] =	vst v63  }
0x12b: {  	s30 =	sadd.s32 $0x2, s30;
	s0 =	sadd.s32 $0xC8, s0;
	s31 =	sadd.s32 $0x3200, s31  }
0x12c: {  	[tilespmem:s25], [sflag:$0x2] =	stream.indirect.gather [spmem:s1], $0x40, s23, s17, $0xb8;
	[tilespmem:$0x1A5E0] =	vst v63  }
0x12d: {  	s0 =	simm.s32 $0x1580;
	s3 =	simm.s32 $0x18DE0  }
0x12e: {  	[tilespmem:s3], [sflag:$0x2] =	stream.indirect.gather [spmem:s1], $0x40, s0, s19, $0xb8;
	[tilespmem:$0x1A5E0] =	vst v63  }
0x12f: {  	_ =	swait.ge [sflag:s8], $0x1A00  }
0x130: {  	[sflag:s8] =	ssyncset.done $0x0  }
0x131: {  	[sflag:s8] =	ssyncadd.s32 $0xFFFFE600  }
0x132: {  	_ =	swait.ge [sflag:s8], $0x1800  }
0x133: {  	[sflag:s8] =	ssyncset.done $0x0  }
0x134: {  	[sflag:s8] =	ssyncadd.s32 $0xFFFFE800  }
0x135: {  	_ =	swait.ge [sflag:s8], $0x1A00  }
0x136: {  	[sflag:s8] =	ssyncset.done $0x0  }
0x137: {  	[sflag:s8] =	ssyncadd.s32 $0xFFFFE600  }
0x138: {  	_ =	swait.ge [sflag:s8], $0x1800  }
0x139: {  	[sflag:s8] =	ssyncset.done $0x0  }
0x13a: {  	[sflag:s8] =	ssyncadd.s32 $0xFFFFE800  }
0x13b: {  	_ =	swait.ge [sflag:s8], $0x1A00  }
0x13c: {  	[sflag:s8] =	ssyncset.done $0x0  }
0x13d: {  	[sflag:s8] =	ssyncadd.s32 $0xFFFFE600  }
0x13e: {  	_ =	swait.ge [sflag:s8], $0x1800  }
0x13f: {  	[sflag:s8] =	ssyncset.done $0x0  }
0x140: {  	[sflag:s8] =	ssyncadd.s32 $0xFFFFE800  }
0x141: {  	_ =	swait.ge [sflag:s8], $0x1A00  }
0x142: {  	[sflag:s8] =	ssyncset.done $0x0  }
0x143: {  	[sflag:s8] =	ssyncadd.s32 $0xFFFFE600  }
0x144: {  	_ =	swait.ge [sflag:s8], $0x1800  }
0x145: {  	[sflag:s8] =	ssyncset.done $0x0  }
0x146: {  	s3 =	rddreg [dreg:$0xa];
	[sflag:s8] =	ssyncadd.s32 $0xFFFFE800  }
0x147: {  	[tilespmem:s7], [sflag:$0x1] =	stream.linear.gather [hbm4b:s3+s2], $0x320, $0x38;
	[tilespmem:$0x1A5E0] =	vst v63  }
0x148: {  	s5 =	rddreg [dreg:$0xb]  }
0x149: {  	[hbm4b:s5+s2] =	stream.linear.scatter [tilespmem:s10], [sflag:$0x3], $0xC800, $0x38;
	[tilespmem:$0x1A5E0] =	vst v63  }
0x14a: {  	_ =	swait.ge [sflag:s29], $0xC800  }
0x14b: {  	[sflag:s29] =	ssyncset.done $0x0  }
0x14c: {  	[sflag:s29] =	ssyncadd.s32 $0xFFFF3800  }
0x14d: {  	_ =	swait.ge [sflag:s9], $0x320  }
0x14e: {  	[sflag:s9] =	ssyncset.done $0x0  }
0x14f: {  	[sflag:s9] =	ssyncadd.s32 $0xFFFFFCE0  }
0x150: {  	[tilespmem:s18], [sflag:$0x2] =	stream.indirect.gather [spmem:s1], $0x40, s15, s17, $0xb8;
	[tilespmem:$0x1A5E0] =	vst v63  }
0x151: {  	s6 =	simm.s32 $0x1008;
	s11 =	simm.s32 $0x2FE0  }
0x152: {  	[tilespmem:s11], [sflag:$0x2] =	stream.indirect.gather [spmem:s1], $0x40, s6, s19, $0xb8;
	[tilespmem:$0x1A5E0] =	vst v63  }
0x153: {  	s12 =	simm.s32 $0x1068;
	s13 =	simm.s32 $0x47E0  }
0x154: {  	[tilespmem:s13], [sflag:$0x2] =	stream.indirect.gather [spmem:s1], $0x40, s12, s17, $0xb8;
	[tilespmem:$0x1A5E0] =	vst v63  }
0x155: {  	s14 =	simm.s32 $0x10D0;
	s16 =	simm.s32 $0x61E0  }
0x156: {  	[tilespmem:s16], [sflag:$0x2] =	stream.indirect.gather [spmem:s1], $0x40, s14, s19, $0xb8;
	[tilespmem:$0x1A5E0] =	vst v63  }
0x157: {  	s20 =	simm.s32 $0x1130;
	s21 =	simm.s32 $0x79E0  }
0x158: {  	[tilespmem:s21], [sflag:$0x2] =	stream.indirect.gather [spmem:s1], $0x40, s20, s17, $0xb8;
	[tilespmem:$0x1A5E0] =	vst v63  }
0x159: {  	s22 =	simm.s32 $0x1198;
	s23 =	simm.s32 $0x93E0  }
0x15a: {  	[tilespmem:s23], [sflag:$0x2] =	stream.indirect.gather [spmem:s1], $0x40, s22, s19, $0xb8;
	[tilespmem:$0x1A5E0] =	vst v63  }
0x15b: {  	s24 =	simm.s32 $0x11F8;
	s25 =	simm.s32 $0xABE0  }
0x15c: {  	[tilespmem:s25], [sflag:$0x2] =	stream.indirect.gather [spmem:s1], $0x40, s24, s17, $0xb8;
	[tilespmem:$0x1A5E0] =	vst v63  }
0x15d: {  	s26 =	simm.s32 $0x1260  }
0x15e: {  	[tilespmem:s28], [sflag:$0x2] =	stream.indirect.gather [spmem:s1], $0x40, s26, s19, $0xb8;
	[tilespmem:$0x1A5E0] =	vst v63  }
0x15f: {  	_ =	swait.ge [sflag:s8], $0x1A00  }
0x160: {  	[sflag:s8] =	ssyncset.done $0x0  }
0x161: {  	[sflag:s8] =	ssyncadd.s32 $0xFFFFE600  }
0x162: {  	_ =	swait.ge [sflag:s8], $0x1800  }
0x163: {  	[sflag:s8] =	ssyncset.done $0x0  }
0x164: {  	[sflag:s8] =	ssyncadd.s32 $0xFFFFE800  }
0x165: {  	_ =	swait.ge [sflag:s8], $0x1A00  }
0x166: {  	[sflag:s8] =	ssyncset.done $0x0  }
0x167: {  	[sflag:s8] =	ssyncadd.s32 $0xFFFFE600  }
0x168: {  	_ =	swait.ge [sflag:s8], $0x1800  }
0x169: {  	[sflag:s8] =	ssyncset.done $0x0  }
0x16a: {  	[sflag:s8] =	ssyncadd.s32 $0xFFFFE800  }
0x16b: {  	_ =	swait.ge [sflag:s8], $0x1A00  }
0x16c: {  	[sflag:s8] =	ssyncset.done $0x0  }
0x16d: {  	[sflag:s8] =	ssyncadd.s32 $0xFFFFE600  }
0x16e: {  	_ =	swait.ge [sflag:s8], $0x1800  }
0x16f: {  	[sflag:s8] =	ssyncset.done $0x0  }
0x170: {  	[sflag:s8] =	ssyncadd.s32 $0xFFFFE800  }
0x171: {  	_ =	swait.ge [sflag:s8], $0x1A00  }
0x172: {  	[sflag:s8] =	ssyncset.done $0x0  }
0x173: {  	[sflag:s8] =	ssyncadd.s32 $0xFFFFE600  }
0x174: {  	_ =	swait.ge [sflag:s8], $0x1800  }
0x175: {  	[sflag:s8] =	ssyncset.done $0x0  }
0x176: {  	[sflag:s8] =	ssyncadd.s32 $0xFFFFE800  }
0x177: {  	_ =	swait.ge [sflag:s9], $0x320  }
0x178: {  	[sflag:s9] =	ssyncset.done $0x0  }
0x179: {  	[sflag:s9] =	ssyncadd.s32 $0xFFFFFCE0  }
0x17a: {  	_ =	swait.ge [sflag:s29], $0xC800  }
0x17b: {  	s30 =	rddreg [dreg:$0x10]  }
0x17c: {  	s31 =	rddreg [dreg:$0xc];
	s3 =	sadd.s32 $0x1, s30  }
0x17d: {  	p1 =	sne.s32 s3, s31  }
.Ltmp1:
0x17e: {  	s5 =	simm.s32 $0x1328;
	s11 =	simm.s32 $0xF7E0;
	(pc) =	sbr.rel @p1 .LBB2_1-.Ltmp1, $4  }
0x17f: {  	s13 =	simm.s32 $0x1388;
	s14 =	simm.s32 $0x10FE0;
	s20 =	simm.s32 $0x13F0  }
0x180: {  	s21 =	simm.s32 $0x129E0;
	s22 =	simm.s32 $0x1450;
	s23 =	simm.s32 $0x141E0  }
0x181: {  	s24 =	simm.s32 $0x14B8;
	s25 =	simm.s32 $0x15BE0;
	[sflag:s29] =	ssyncset.done $0x0  }
0x182: {  	s26 =	simm.s32 $0x1518;
	s28 =	simm.s32 $0x173E0;
	[sflag:s29] =	ssyncadd.s32 $0xFFFF3800  }
0x183: {  	_ =	sfence.sel $0x180000  }
0x184: {  	[bflag:$0x0] =	sbarrier.arrive $0xFFFF  }
0x185: {  	_ =	strace $0x90000047  }
0x186: {  	[bflag:$0x2] =	sbarrier.arrive $0xFFFF  }
0x187: {  	s0 =	rddreg [dreg:$0x3]  }
0x188: {  	s0 =	sadd.s32 @!p0 $0x100000, s0  }
0x189: {  	[sflag:s0] =	ssyncadd.tile.s32 @!p0 $0x1;
	_ =	shalt  }
.Lfunc_end2:
_tile_overlayer_lowered:
.L_overlay_start_2:
0x18a: {  	(tag) =	ssettag $0x2  }
0x18b: {  	s0 =	rddreg [dreg:$0x0];
	s2 =	stileid.u32  }
0x18c: {  	s1 =	rddreg [dreg:$0x1];
	p0 =	sne.s32 s2, $0x0  }
0x18d: {  	s3 =	rddreg [dreg:$0x2];
	[bflag:$0x3] =	sbarrier.arrive $0xFFFF;
	s2 =	simm.s32 @!p0 $0x1C04  }
0x18e: {  	[timem:s3], [sflag:s2] =	dma.local @!p0 [hbm:s0], s1  }
0x18f: {  	s0 =	simm.s32 @!p0 $0x4  }
0x190: {  	_ =	swait.ge @!p0 [sflag:s0], s1  }
0x191: {  	s1 =	ssub.s32 @!p0 $0x0, s1;
	[sflag:s0] =	ssyncset.done @!p0 $0x0  }
0x192: {  	[sflag:s0] =	ssyncadd.s32 @!p0 s1  }
0x193: {  	[bflag:$0x3] =	sbarrier.arrive $0xFFFF  }
0x194: {  	_ =	shalt  }

// kernel: sparse-core-data-format-call.cloned.1.call-start
scs
called_computation_lowered:
.L_overlay_start_0:
0x0: {  	s2 =	sld [smem:$0x3FD9]  }
0x1: {  	s3 =	sld [smem:$0x3FFE];
	_ =	sdelay $0x1  }
0x2: {  	s1 =	srdreg.scid  }
0x3: {  	s0 =	sand.u32 $0x1, s1  }
0x4: {  	s18 =	sshll.u32 s0, $0xA;
	s2 =	sadd.s32 s3, s2  }
0x5: {  	s2 =	sadd.s32 s2, s18  }
0x6: {  	[smem:$0x3FC6] =	sst s2  }
0x7: {  	_ = 	snop  }
0x8: {  	s2 =	sld [smem:$0x3FD0];
	(tm) =	ssettm $0x1  }
0x9: {  	s19 =	sld [smem:$0x3FFB];
	_ =	sdelay $0x3  }
0xa: {  	_ =	strace s19  }
0xb: {  	s3 =	sld [smem:$0x3FFC];
	_ =	sdelay $0x3  }
0xc: {  	_ =	strace s3  }
0xd: {  	s3 =	sld [smem:$0x3FFD];
	_ =	sdelay $0x3  }
0xe: {  	_ =	strace s3  }
0xf: {  	_ =	strace $0x8FFFFFFF  }
0x10: {  	s20 =	sld [smem:$0x3FDB];
	_ =	sdelay $0x1  }
0x11: {  	s4 =	simm.s32 $_scs_section_size  }
0x12: {  	s5 =	simm.s32 $_size__tile_overlayer_lowered;
	s6 =	simm.s32 $_tile_overlayer_lowered  }
0x13: {  	s23 =	simm.s32 $0x1BFF;
	s22 =	sshll.u32 s6, $0x1;
	s3 =	sadd.s32 s4, s20  }
0x14: {  	s7 =	simm.s32 $0x0;
	s21 =	sshll.u32 s5, $0x1;
	s5 =	sadd.s32 s22, s3  }
0x15: {  	[timem:s7], [sflag:s23] =	dma.local [hbm:s5], s21  }
0x16: {  	_ =	swait.ge [sflag:s23], s21  }
0x17: {  	s4 =	ssub.s32 $0x0, s21;
	[sflag:s23] =	ssyncset.done $0x0  }
0x18: {  	[sflag:s23] =	ssyncadd.s32 s4;
	_ =	sdelay $0x1  }
0x19: {  	s24 =	simm.s32 $0x1B8B  }
0x1a: {  	_ =	swait.ge [sflag:s24], $0x1  }
0x1b: {  	[sflag:s24] =	ssyncset.done $0x0  }
0x1c: {  	s26 =	simm.s32 $0x1B8E;
	s25 =	sld [smem:$0x3FFE];
	[sflag:s24] =	ssyncadd.s32 $0xFFFFFFFF  }
0x1d: {  	s27 =	simm.s32 $execute0_lowered;
	[smem:$0x3FD2] =	sst s26  }
0x1e: {  	s5 =	sshll.u32 s27, $0x1;
	_ =	strace $0x80000049;
	[dreg:$0x1] =	wrdreg $0xFFFFFFFF  }
0x1f: {  	s28 =	simm.s32 $_size_execute0_lowered;
	s3 =	sadd.s32 s3, s5;
	[dreg:$0x0] =	wrdreg $0x0  }
0x20: {  	s5 =	sshll.u32 s28, $0x1;
	[dreg:$0x2] =	wrdreg s3  }
0x21: {  	[dreg:$0x3] =	wrdreg s5  }
0x22: {  	[dreg:$0x4] =	wrdreg $0xC0  }
0x23: {  	_ =	task [dreg:s7], $0x5FFFF  }
0x24: {  	[dreg:$0x1] =	wrdreg $0xFFFFFFFF  }
0x25: {  	[dreg:$0x0] =	wrdreg $0x60  }
0x26: {  	[dreg:$0x2] =	wrdreg s25  }
0x27: {  	[dreg:$0x3] =	wrdreg s2  }
0x28: {  	[dreg:$0x4] =	wrdreg $0x9  }
0x29: {  	_ =	task.clear_ibuf [dreg:s7], $0x5FFFF;
	_ =	strace $0x90000049  }
0x2a: {  	s29 =	simm.s32 $0x9;
	_ =	strace $0x8000004B  }
0x2b: {  	_ =	swait.ge [sflag:s29], $0x1  }
0x2c: {  	[sflag:s29] =	ssyncadd.s32 $0xFFFFFFFF  }
0x2d: {  	_ =	strace $0x9000004B  }
0x2e: {  	_ =	sfence  }
0x2f: {  	s30 =	sld [smem:$0x0];
	_ =	sdelay $0x2  }
0x30: {  	s31 =	sshll.u32 s1, $0xD;
	s1 =	sshrl.u32 s1, $0x2  }
0x31: {  	s3 =	sand.u32 $0x4000, s31;
	s1 =	sadd.s32 s1, s30  }
0x32: {  	s0 =	sor.u32 s3, s0;
	s1 =	sshll.u32 s1, $0x11  }
0x33: {  	s0 =	sor.u32 s1, s0  }
0x34: {  	s0 =	sadd.s32 $0x8F2B, s0  }
0x35: {  	[sflag:s0] =	ssyncadd.remote.s32 $0x1  }
0x36: {  	_ =	sfence.sel $0xFFFF  }
0x37: {  	[dreg:$0x0] =	wrdreg $0xFFFFFFFF;
	(pc) =	sbr.abs _section_cstart, $3  }
0x38: {  	[dreg:$0x1] =	wrdreg $0xFFFFFFFF  }
0x39: {  	_ =	task.clear_ibuf [dreg:s7], $0x2FFFF;
	_ =	strace $0x9FFFFFFF  }
0x3a: {  	(tm) =	ssettm $0x7FFFFFFF  }
0x3b: {  	_ =	shalt  }
tec
execute0_lowered:
.L_overlay_start_1:
0x0: {  	(tag) =	ssettag $0x1  }
0x1: {  	s0 =	srdreg.scid  }
0x2: {  	s1 =	sshll.u32 s0, $0x4  }
0x3: {  	s0 =	stileid.u32;
	s1 =	sand.u32 $0x10, s1  }
0x4: {  	s1 =	sor.u32 s0, s1  }
0x5: {  	s6 =	rddreg [dreg:$0x0];
	s4 =	simm.s32 $0x1;
	s2 =	sshll.u32 s1, $0x7  }
0x6: {  	s7 =	simm.s32 $0x2;
	s12 =	simm.s32 $0x0;
	s1 =	ssub.s32 $0x4000, s2  }
0x7: {  	s8 =	simm.s32 $0x20000;
	s13 =	simm.s32 $0x0;
	s3 =	sand.u32 $0xF80, s1  }
0x8: {  	s9 =	simm.s32 $0x0;
	s5 =	sshrl.u32 s1, $0xC;
	p0 =	sne.s32 s3, $0x0  }
.Ltmp0:
0x9: {  	s1 =	rddreg [dreg:$0x2];
	s4 =	simm.s32 @!p0 $0x0;
	(pc) =	sbr.rel .LBB1_1-.Ltmp0, $4  }
0xa: {  	s11 =	simm.s32 $0x0;
	s3 =	rddreg [dreg:$0x1];
	s5 =	sadd.s32 s4, s5  }
0xb: {  	_ =	strace $0x8000004A;
	s4 =	simm.s32 $0x1;
	s5 =	smul.u32 $0xC8, s5  }
0xc: {  	s6 =	sadd.s32 $0x800, s6;
	s10 =	smov.u32 s2;
	[sflag:s4] =	ssyncpa.u1 $0x0  }
0xd: {  	p0 =	por $0x0, $0x0;
	[sflag:s7] =	ssyncpa.u1 $0x0;
	s7 =	sor.u32 $0x1, s5  }
.LBB1_4:
0xe: {  	s16 =	sshll.u32 s13, $0x3;
	s17 =	sand.u32 $0x78, s13  }
0xf: {  	s30 =	sand.u32 $0x1F800, s13;
	s12 =	sshll.u32 s12, $0x11;
	s16 =	sand.u32 $0x3C00, s16  }
0x10: {  	[tilespmem:s15+$0x810 ss:$0x81] =	vst.msk $0xffff, v2;
	s31 =	sand.u32 $0x7, s13;
	s16 =	sor.u32 s17, s16;
	s17 =	sadd.s32 s3, s30  }
0x11: {  	[tilespmem:s15+$0x1020 ss:$0x81] =	vst.msk $0xffff, v0;
	s13 =	sshll.u32 s31, $0x12;
	s12 =	sadd.s32 s12, s17;
	s16 =	sshrl.u32 s16, $0x3  }
0x12: {  	[tilespmem:s15+$0x0 ss:$0x81] =	vst.msk $0xffff, v1;
	s13 =	sor.u32 $0x400, s13;
	s12 =	sadd.s32 s16, s12  }
0x13: {  	[hbm4b:s12+s13] =	stream.strided.scatter [tilespmem:s14], [sflag:$0x2], $0x2000, s8, s13, $0x20;
	[tilespmem:$0x8080] =	vst v63  }
.LBB1_5:
0x14: {  	s14 =	sadd.s32 $0x1, s9  }
0x15: {  	s12 =	sadd.s32 $0x1000, s10;
	s16 =	smov.u32 s10;
	p2 =	sgt.s32 s14, $0xC7  }
0x16: {  	s16 =	smov.u32 @p2 s12  }
0x17: {  	s14 =	simm.s32 @p2 $0x0;
	p2 =	sgt.s32 s16, $0x3FFF  }
0x18: {  	s16 =	smov.u32 @p2 s2;
	p2 =	sne.s32 s11, s7  }
.Ltmp1:
0x19: {  	p1 =	slt.u32 s11, $0x2;
	(pc) =	sbr.rel @!p2 .LBB1_6-.Ltmp1, $4  }
0x1a: {  	s15 =	simm.s32 @!p1 $0x2  }
0x1b: {  	s13 =	smov.u32 s10;
	p0 =	por !p0, !p0;
	_ =	swait.ge @!p1 [sflag:s15], $0x2000  }
0x1c: {  	s12 =	smov.u32 s9;
	[sflag:s15] =	ssyncset.done @!p1 $0x0;
	s9 =	smov.u32 s14  }
0x1d: {  	s11 =	sadd.s32 $0x1, s11;
	[sflag:s15] =	ssyncadd.s32 @!p1 $0xFFFFE000;
	s10 =	smov.u32 s16  }
.LBB1_1:
0x1e: {  	p1 =	sge.u32 s11, s5  }
0x1f: {  	s14 =	sand.u32 @!p1 $0x1FFFFFF, s9  }
0x20: {  	s15 =	smulhi.u32 @!p1 $0x147AE15, s14;
	_ =	sdelay $0x1  }
0x21: {  	s15 =	smul.u32 @!p1 $0xC8, s15  }
0x22: {  	s16 =	sxor.u32 @!p1 $0xFFFFFFFF, s11;
	s17 =	smul.u32 @!p1 $0xC80, s10  }
0x23: {  	s31 =	sadd.s32 $0xFFFFFFFF, s11;
	s16 =	sshll.u32 @!p1 s16, $0xD;
	s14 =	ssub.s32 @!p1 s14, s15  }
0x24: {  	s15 =	sand.u32 @!p1 $0x2000, s16;
	s16 =	sadd.s32 @!p1 s6, s17;
	s14 =	sshll.u32 @!p1 s14, $0x4  }
0x25: {  	s17 =	simm.s32 @!p1 $0x6400;
	s14 =	sadd.s32 @!p1 s14, s16;
	s16 =	simm.s32 @!p1 $0x40  }
0x26: {  	[tilespmem:s15], [sflag:$0x1] =	stream.strided.gather @!p1 [hbm4b:s14+s16], $0x2000, s17, s16, $0x38;
	[tilespmem:$0x8080] =	vst v63  }
0x27: {  	p1 =	sge.u32 s31, s5  }
.Ltmp2:
0x28: {  	_ = 	snop;
	(pc) =	sbr.rel @p1 .LBB1_5-.Ltmp2, $1  }
0x29: {  	_ =	sdelay $0x3  }
0x2a: {  	s14 =	simm.s32 $0x1  }
0x2b: {  	_ =	swait.ge [sflag:s4], $0x2000;
	s14 =	simm.s32 @!p0 $0x0  }
0x2c: {  	[sflag:s4] =	ssyncset.done $0x0;
	s15 =	sshll.u32 s14, $0xD  }
0x2d: {  	[sflag:s4] =	ssyncadd.s32 $0xFFFFE000;
	s18 =	sor.u32 $0x20, s15  }
0x2e: {  	s14 =	smul.u32 $0x8100, s14;
	v3 =	vld [tilespmem:s18+$0x10]  }
0x2f: {  	s30 =	sand.u32 $0x1, s11;
	v2 =	vld [tilespmem:s18+$0xFFFFFFF0]  }
0x30: {  	s15 =	smul.u32 $0x8100, s30;
	s14 =	sshrl.u32 s14, $0x2;
	v0 =	vld [tilespmem:s18+$0x0]  }
0x31: {  	v1 =	vld [tilespmem:s18+$0xFFFFFFE0];
	s16 =	sor.u32 $0x4000, s14  }
0x32: {  	s31 =	sshrl.u32 s15, $0x2;
	s15 =	sadd.s32 $0x0, s16  }
0x33: {  	s17 =	simm.s32 $0x4;
	s18 =	sadd.s32 $0x40, s18;
	s14 =	sor.u32 $0x4000, s31;
	[tilespmem:s15+$0x1830 ss:$0x81] =	vst.msk $0xffff, v3  }
.LBB1_3:
0x34: {  	v3 =	vld [tilespmem:s18+$0x10];
	p1 =	sne.s32 s17, $0x1FC;
	[tilespmem:s15+$0x810 ss:$0x81] =	vst.msk $0xffff, v2;
	s19 =	smov.u32 s17;
	s17 =	sadd.s32 $0x4, s17  }
.Ltmp3:
0x35: {  	v2 =	vld [tilespmem:s18+$0xFFFFFFF0];
	[tilespmem:s15+$0x1020 ss:$0x81] =	vst.msk $0xffff, v0;
	(pc) =	sbr.rel @p1 .LBB1_3-.Ltmp3, $4  }
0x36: {  	v0 =	vld [tilespmem:s18+$0x0];
	[tilespmem:s15+$0x0 ss:$0x81] =	vst.msk $0xffff, v1  }
0x37: {  	s15 =	sshra.s32 s19, $0x2;
	v1 =	vld [tilespmem:s18+$0xFFFFFFE0]  }
0x38: {  	s15 =	sadd.s32 s15, s16  }
0x39: {  	s18 =	sadd.s32 $0x40, s18;
	[tilespmem:s15+$0x1830 ss:$0x81] =	vst.msk $0xffff, v3  }
.Ltmp4:
0x3a: {  	_ = 	snop;
	(pc) =	sbr.rel .LBB1_4-.Ltmp4, $1  }
0x3b: {  	_ =	sdelay $0x3  }
.LBB1_6:
0x3c: {  	_ =	sfence.sel $0x180000  }
0x3d: {  	s2 =	simm.s32 $0x1;
	[bflag:$0x0] =	sbarrier.arrive $0xFFFF  }
0x3e: {  	s31 =	simm.s32 $0x2;
	[sflag:s2] =	ssyncpa.u1 $0x1  }
0x3f: {  	[sflag:s31] =	ssyncpa.u1 $0x1  }
0x40: {  	p0 =	sne.s32 s0, $0x0;
	_ =	strace $0x9000004A  }
0x41: {  	s0 =	sadd.s32 @!p0 $0x100000, s1;
	[bflag:$0x2] =	sbarrier.arrive $0xFFFF  }
0x42: {  	[sflag:s0] =	ssyncadd.tile.s32 @!p0 $0x1;
	_ =	shalt  }
.Lfunc_end1:
_tile_overlayer_lowered:
.L_overlay_start_2:
0x43: {  	(tag) =	ssettag $0x2  }
0x44: {  	s0 =	rddreg [dreg:$0x0];
	s2 =	stileid.u32  }
0x45: {  	s1 =	rddreg [dreg:$0x1];
	p0 =	sne.s32 s2, $0x0  }
0x46: {  	s3 =	rddreg [dreg:$0x2];
	[bflag:$0x3] =	sbarrier.arrive $0xFFFF;
	s2 =	simm.s32 @!p0 $0x1C01  }
0x47: {  	[timem:s3], [sflag:s2] =	dma.local @!p0 [hbm:s0], s1  }
0x48: {  	s0 =	simm.s32 @!p0 $0x1  }
0x49: {  	_ =	swait.ge @!p0 [sflag:s0], s1  }
0x4a: {  	s1 =	ssub.s32 @!p0 $0x0, s1;
	[sflag:s0] =	ssyncset.done @!p0 $0x0  }
0x4b: {  	[sflag:s0] =	ssyncadd.s32 @!p0 s1  }
0x4c: {  	[bflag:$0x3] =	sbarrier.arrive $0xFFFF  }
0x4d: {  	_ =	shalt  }

</sc_bundles>
